<compile_context>
chip_gen: v7x
topology: tpu7x:2x2x1
jax: 0.10.2.dev20260603
libtpu: 0.0.44.dev20260713+nightly
codegen_flags: <defaults>
</compile_context>

<pallas_src>
import functools
import math

import numpy as np
import jax
import jax.numpy as jnp
from jax import lax
from jax.experimental import pallas as pl
from jax.experimental.pallas import tpu as pltpu
from jax.experimental.pallas import tpu_sc as plsc

NLAT_IN = 181
NLON_IN = 360
NLAT_OUT = 91
NLON_OUT = 180
KERNEL_NR = 3
KS = KERNEL_NR // 2 + KERNEL_NR % 2
THETA_CUTOFF = (KERNEL_NR + 1) * math.pi / float(NLAT_IN - 1)
CH = 64
QH = NLON_OUT
SEGS = KS * NLAT_OUT
ROWLEN = QH * CH
DROW = 2 * ROWLEN
NTILES = 32
LANES = 16


def _psi_index_pattern():
    lats_in = np.linspace(0.0, math.pi, NLAT_IN)
    lats_out = np.linspace(0.0, math.pi, NLAT_OUT)
    lons_in = np.linspace(0.0, 2.0 * math.pi, NLON_IN + 1)[:-1]
    dr = 2.0 * THETA_CUTOFF / (KERNEL_NR + 1)
    ks_, ts_, ss_ = [], [], []
    for t in range(NLAT_OUT):
        alpha = -lats_out[t]
        beta = lons_in[None, :]
        gamma = lats_in[:, None]
        z = -np.cos(beta) * np.sin(alpha) * np.sin(gamma) + np.cos(alpha) * np.cos(gamma)
        x = np.cos(alpha) * np.cos(beta) * np.sin(gamma) + np.cos(gamma) * np.sin(alpha)
        y = np.sin(beta) * np.sin(gamma)
        norm = np.sqrt(x * x + y * y + z * z)
        theta = np.arccos(np.clip(z / norm, -1.0, 1.0))
        for ik in range(KS):
            cond = (np.abs(theta - ik * dr) <= dr) & (theta <= THETA_CUTOFF)
            ii = np.argwhere(cond)
            ks_.append(np.full(ii.shape[0], ik, dtype=np.int64))
            ts_.append(np.full(ii.shape[0], t, dtype=np.int64))
            ss_.append(ii[:, 0] * NLON_IN + ii[:, 1])
    return (np.concatenate(ks_), np.concatenate(ts_), np.concatenate(ss_))


def _build_static_meta():
    k, t, s = _psi_index_pattern()
    nnz = len(k)
    si = s // NLON_IN
    sj = s % NLON_IN
    m = sj // 2
    par = sj % 2
    seg = (k * NLAT_OUT + t).astype(np.int64)
    row = par * NLAT_IN + si

    order = np.argsort(seg, kind="stable")
    bounds = [(w * nnz) // NTILES for w in range(NTILES + 1)]

    tile_taps = [[] for _ in range(NTILES)]
    tile_groups = [[] for _ in range(NTILES)]
    pcount = np.zeros(SEGS, dtype=np.int64)
    for w in range(NTILES):
        lo, hi = bounds[w], bounds[w + 1]
        i = lo
        while i < hi:
            j = i
            while j < hi and seg[order[j]] == seg[order[i]]:
                j += 1
            sg = int(seg[order[i]])
            slot = int(pcount[sg])
            pcount[sg] += 1
            run = order[i:j]
            run = run[np.argsort(row[run], kind="stable")]
            gi = 0
            while gi < len(run):
                gj = gi
                while gj < len(run) and row[run[gj]] == row[run[gi]]:
                    gj += 1
                for idx in run[gi:gj]:
                    tile_taps[w].append((int(idx), int(m[idx]) * CH))
                tile_groups[w].append(
                    [int(row[run[gi]]) * DROW, gj - gi,
                     0 if gj == len(run) else -1, sg, slot])
                gi = gj
            i = j
    P = int(pcount.max())
    for w in range(NTILES):
        for g in tile_groups[w]:
            if g[2] == 0:
                g[2] = (g[3] * P + g[4]) * ROWLEN

    zero_slots = []
    for sg in range(SEGS):
        for p in range(int(pcount[sg]), P):
            zero_slots.append(sg * P + p)

    maxn = ((max(len(tt) for tt in tile_taps) + 7) // 8) * 8 + 16
    maxg = ((max(len(tg) for tg in tile_groups) + 7) // 8) * 8 + 16
    maxz = (((len(zero_slots) + NTILES - 1) // NTILES + 7) // 8) * 8 + 16

    mb_np = np.zeros((NTILES, maxn), dtype=np.int32)
    vperm_np = np.full((NTILES, maxn), nnz, dtype=np.int32)
    grow_np = np.zeros((NTILES, maxg), dtype=np.int32)
    gnum_np = np.zeros((NTILES, maxg), dtype=np.int32)
    gflush_np = np.full((NTILES, maxg), -1, dtype=np.int32)
    cnts_np = np.zeros((NTILES, 32), dtype=np.int32)
    zoff_np = np.zeros((NTILES, maxz), dtype=np.int32)
    for w in range(NTILES):
        for i, (idx, mb) in enumerate(tile_taps[w]):
            vperm_np[w, i] = idx
            mb_np[w, i] = mb
        for g, (ro, nt, fl, _, _) in enumerate(tile_groups[w]):
            grow_np[w, g] = ro
            gnum_np[w, g] = nt
            gflush_np[w, g] = fl
        cnts_np[w, 0] = len(tile_groups[w])
    for i, slot in enumerate(zero_slots):
        w = i % NTILES
        zoff_np[w, cnts_np[w, 1]] = slot * ROWLEN
        cnts_np[w, 1] += 1
    return dict(
        nnz=nnz, P=P, maxn=maxn, maxg=maxg, maxz=maxz,
        mb=mb_np, vperm=vperm_np, grow=grow_np, gnum=gnum_np,
        gflush=gflush_np, cnts=cnts_np, zoff=zoff_np,
    )


_META_SC = _build_static_meta()
_P = _META_SC["P"]
_MAXN = _META_SC["maxn"]
_MAXG = _META_SC["maxg"]
_MAXZ = _META_SC["maxz"]
_NNZ = _META_SC["nnz"]


def _sread(ref, i):
    return ref[pl.ds(i, LANES)][0]


def _sc_body(xd_hbm, mb_hbm, vals_hbm, grow_hbm, gnum_hbm, gflush_hbm,
             cnts_hbm, zoff_hbm, out_hbm, mb_v, vals_v, grow_v, gnum_v,
             gflush_v, cnt_v, zoff_v, acc_v, xbuf_v, sem0, sem1):
    wid = lax.axis_index("s") * 2 + lax.axis_index("c")
    pltpu.sync_copy(mb_hbm.at[wid], mb_v)
    pltpu.sync_copy(vals_hbm.at[wid], vals_v)
    pltpu.sync_copy(grow_hbm.at[wid], grow_v)
    pltpu.sync_copy(gnum_hbm.at[wid], gnum_v)
    pltpu.sync_copy(gflush_hbm.at[wid], gflush_v)
    pltpu.sync_copy(cnts_hbm.at[wid], cnt_v)
    pltpu.sync_copy(zoff_hbm.at[wid], zoff_v)
    ngroups = _sread(cnt_v, 0)
    nzero = _sread(cnt_v, 1)

    zvec = jnp.zeros((LANES,), jnp.float32)

    def _fire(g, base, sem):
        ro = pl.multiple_of(_sread(grow_v, g), 128)
        pltpu.async_copy(xd_hbm.at[pl.ds(ro, DROW)],
                         xbuf_v.at[pl.ds(base, DROW)], sem)

    def _drain(base, sem):
        pltpu.make_async_copy(xd_hbm.at[pl.ds(0, DROW)],
                              xbuf_v.at[pl.ds(base, DROW)], sem).wait()

    def _zero_acc():
        @plsc.parallel_loop(0, ROWLEN, LANES, unroll=8)
        def _z(q):
            acc_v[pl.ds(q, LANES)] = zvec

    _zero_acc()

    @pl.when(ngroups > 0)
    def _prime():
        _fire(0, 0, sem0)

    def gbody(g, i0):
        ntaps = _sread(gnum_v, g)

        def _gstep(cur, csem, nxt, nsem):
            _drain(cur, csem)

            @pl.when(g + 1 < ngroups)
            def _next():
                _fire(g + 1, nxt, nsem)

            def tap(j, carry):
                i = i0 + j
                mb = pl.multiple_of(_sread(mb_v, i), 64)
                v = _sread(vals_v, i)
                base = cur + mb

                @plsc.parallel_loop(0, ROWLEN, LANES, unroll=8)
                def _fma(q):
                    xv = xbuf_v[pl.ds(base + q, LANES)]
                    plsc.addupdate(acc_v.at[pl.ds(q, LANES)], v * xv)
                return carry

            lax.fori_loop(0, ntaps, tap, 0)

        @pl.when(g % 2 == 0)
        def _even():
            _gstep(0, sem0, DROW, sem1)

        @pl.when(g % 2 == 1)
        def _odd():
            _gstep(DROW, sem1, 0, sem0)

        flush = _sread(gflush_v, g)

        @pl.when(flush >= 0)
        def _flush():
            fo = pl.multiple_of(flush, 128)
            pltpu.sync_copy(acc_v, out_hbm.at[pl.ds(fo, ROWLEN)])
            _zero_acc()

        return i0 + ntaps

    lax.fori_loop(0, ngroups, gbody, 0)

    def zslot(z, carry):
        zoff = pl.multiple_of(_sread(zoff_v, z), 128)
        pltpu.sync_copy(acc_v, out_hbm.at[pl.ds(zoff, ROWLEN)])
        return carry
    lax.fori_loop(0, nzero, zslot, 0)


@functools.lru_cache(maxsize=1)
def _get_sc_scatter():
    return functools.partial(
        pl.kernel,
        mesh=plsc.VectorSubcoreMesh(core_axis_name="c", subcore_axis_name="s"),
        out_type=jax.ShapeDtypeStruct((SEGS * _P * ROWLEN,), jnp.float32),
        scratch_types=[
            pltpu.VMEM((_MAXN,), jnp.int32),
            pltpu.VMEM((_MAXN,), jnp.float32),
            pltpu.VMEM((_MAXG,), jnp.int32),
            pltpu.VMEM((_MAXG,), jnp.int32),
            pltpu.VMEM((_MAXG,), jnp.int32),
            pltpu.VMEM((32,), jnp.int32),
            pltpu.VMEM((_MAXZ,), jnp.int32),
            pltpu.VMEM((ROWLEN,), jnp.float32),
            pltpu.VMEM((2 * DROW,), jnp.float32),
            pltpu.SemaphoreType.DMA,
            pltpu.SemaphoreType.DMA,
        ],
    )(_sc_body)


_TT = 7


def _tc_body(part_ref, w_ref, b_ref, out_ref):
    part = part_ref[...]
    y = part.sum(axis=2)
    acc = None
    for kk in range(KS):
        yk = y[kk].reshape(_TT * QH, CH)
        wk = w_ref[:, :, kk]
        zk = lax.dot_general(wk, yk, (((1,), (1,)), ((), ())),
                             preferred_element_type=jnp.float32)
        acc = zk if acc is None else acc + zk
    out_ref[0, :, :] = acc + b_ref[...]


def _tc_einsum(part, weight, bias2):
    grid = NLAT_OUT // _TT
    return pl.pallas_call(
        _tc_body,
        grid=(grid,),
        in_specs=[
            pl.BlockSpec((KS, _TT, _P, QH, CH), lambda i: (0, i, 0, 0, 0)),
            pl.BlockSpec((CH, CH, KS), lambda i: (0, 0, 0)),
            pl.BlockSpec((CH, 1), lambda i: (0, 0)),
        ],
        out_specs=pl.BlockSpec((1, CH, _TT * QH), lambda i: (i, 0, 0)),
        out_shape=jax.ShapeDtypeStruct((grid, CH, _TT * QH), jnp.float32),
    )(part, weight, bias2)


def kernel(x, weight, bias, psi_vals, psi_k, psi_t, psi_s):
    xt = jnp.transpose(x[0], (1, 2, 0))
    xe = xt[:, 0::2, :]
    xo = xt[:, 1::2, :]
    xr = jnp.concatenate([xe, xo], axis=0)
    xd = jnp.concatenate([xr, xr], axis=1).reshape(-1)

    vals_pad = jnp.concatenate([psi_vals.astype(jnp.float32),
                                jnp.zeros((1,), jnp.float32)])
    vals_tiles = vals_pad[jnp.asarray(_META_SC["vperm"].reshape(-1))]
    vals_tiles = vals_tiles.reshape(NTILES, _MAXN)

    part = _get_sc_scatter()(
        xd,
        jnp.asarray(_META_SC["mb"]),
        vals_tiles,
        jnp.asarray(_META_SC["grow"]),
        jnp.asarray(_META_SC["gnum"]),
        jnp.asarray(_META_SC["gflush"]),
        jnp.asarray(_META_SC["cnts"]),
        jnp.asarray(_META_SC["zoff"]),
    )
    part = part.reshape(KS, NLAT_OUT, _P, QH, CH)
    out3 = _tc_einsum(part, weight, bias.reshape(CH, 1))
    out3 = out3.reshape(NLAT_OUT // _TT, CH, _TT, QH)
    return jnp.transpose(out3, (1, 0, 2, 3)).reshape(1, CH, NLAT_OUT, QH)

# --- scband reference (transcript-rebuilt; emitter-appended) ---
"""Pipeline reference for scband-discrete-continuous-conv-s2-39316130627585 (READ-ONLY COPY).

The authoritative reference and input builder live on the scoring server;
editing this copy changes nothing except your own understanding.
"""

import math
import jax, jax.numpy as jnp
import numpy as np

NLAT_IN = 181
NLON_IN = 360
NLAT_OUT = 91
NLON_OUT = 180
KERNEL_NR = 3
KERNEL_SIZE = KERNEL_NR // 2 + KERNEL_NR % 2
THETA_CUTOFF = (KERNEL_NR + 1) * math.pi / float(NLAT_IN - 1)
IN_CH = 64
OUT_CH = 64


def _precompute_latitudes(nlat):
    lats = np.linspace(0.0, math.pi, nlat)
    w = np.sin(lats) * (math.pi / (nlat - 1))
    w[0] *= 0.5
    w[-1] *= 0.5
    return lats, w


def _support_vals_isotropic(theta, nr, r_cutoff):
    ks = nr // 2 + nr % 2
    dr = 2.0 * r_cutoff / (nr + 1)
    idxs = []
    vals = []
    for ik in range(ks):
        ir = ik * dr
        cond = (np.abs(theta - ir) <= dr) & (theta <= r_cutoff)
        ii = np.argwhere(cond)
        v = 1.0 - np.abs(theta[ii[:, 0], ii[:, 1]] - ir) / dr
        kk = np.full((ii.shape[0], 1), ik, dtype=np.int64)
        idxs.append(np.concatenate([kk, ii.astype(np.int64)], axis=1))
        vals.append(v)
    return np.concatenate(idxs, axis=0), np.concatenate(vals, axis=0)


def _build_psi():
    lats_in, win = _precompute_latitudes(NLAT_IN)
    lats_out, _ = _precompute_latitudes(NLAT_OUT)
    lons_in = np.linspace(0.0, 2.0 * math.pi, NLON_IN + 1)[:-1]
    ks_ = []
    ts_ = []
    ss_ = []
    vs_ = []
    for t in range(NLAT_OUT):
        alpha = -lats_out[t]
        beta = lons_in[None, :]
        gamma = lats_in[:, None]
        z = -np.cos(beta) * np.sin(alpha) * np.sin(gamma) + np.cos(alpha) * np.cos(gamma)
        x = np.cos(alpha) * np.cos(beta) * np.sin(gamma) + np.cos(gamma) * np.sin(alpha)
        y = np.sin(beta) * np.sin(gamma)
        norm = np.sqrt(x * x + y * y + z * z)
        theta = np.arccos(np.clip(z / norm, -1.0, 1.0))
        iidx, v = _support_vals_isotropic(theta, KERNEL_NR, THETA_CUTOFF)
        ks_.append(iidx[:, 0])
        ts_.append(np.full(iidx.shape[0], t, dtype=np.int64))
        ss_.append(iidx[:, 1] * NLON_IN + iidx[:, 2])
        vs_.append(v)
    k = np.concatenate(ks_)
    t = np.concatenate(ts_)
    s = np.concatenate(ss_)
    v = np.concatenate(vs_)
    quad = 2.0 * math.pi * win / NLON_IN
    q = quad[s // NLON_IN]
    seg = k * NLAT_OUT + t
    vnorm = np.zeros(KERNEL_SIZE * NLAT_OUT, dtype=np.float64)
    np.add.at(vnorm, seg, v * q)
    v = v * q / (vnorm[seg] + 1e-9)
    return k, t, s, v.astype(np.float32)


def setup_inputs(seed: int = 0):
    key = jax.random.key(seed)
    k1, k2 = jax.random.split(key)
    x = jax.random.normal(k1, (1, IN_CH, NLAT_IN, NLON_IN), dtype=jnp.float32)
    scale = math.sqrt(1.0 / IN_CH)
    weight = scale * jax.random.normal(k2, (OUT_CH, IN_CH, KERNEL_SIZE), dtype=jnp.float32)
    bias = jnp.zeros((OUT_CH,), dtype=jnp.float32)
    pk, pt, ps, pv = _build_psi()
    return {
        "x": x,
        "weight": weight,
        "bias": bias,
        "psi_vals": jnp.asarray(pv),
        "psi_k": jnp.asarray(pk),
        "psi_t": jnp.asarray(pt),
        "psi_s": jnp.asarray(ps),
    }


def reference(x, weight, bias, psi_vals, psi_k, psi_t, psi_s):
    B, Cin, nlat_in, nlon_in = x.shape
    pscale = nlon_in // NLON_OUT
    x2 = x.reshape(B * Cin, nlat_in * nlon_in).T
    si = psi_s // nlon_in
    sj = psi_s % nlon_in
    seg = psi_k * NLAT_OUT + psi_t

    def body(carry, shift):
        cols = (sj + shift) % nlon_in
        gathered = x2[si * nlon_in + cols]
        contrib = psi_vals[:, None] * gathered
        yp = jax.ops.segment_sum(contrib, seg, num_segments=KERNEL_SIZE * NLAT_OUT)
        return carry, yp

    shifts = jnp.arange(NLON_OUT) * pscale
    _, ys = jax.lax.scan(body, 0, shifts)
    y = ys.reshape(NLON_OUT, KERNEL_SIZE, NLAT_OUT, B * Cin)
    y = jnp.transpose(y, (3, 1, 2, 0)).reshape(B, Cin, KERNEL_SIZE, NLAT_OUT, NLON_OUT)
    out = jnp.einsum('bckxy,ock->boxy', y, weight)
    out = out + bias[None, :, None, None]
    return out

if __name__ == "__main__":
    import jax
    _d = setup_inputs()
    print(jax.jit(kernel)(*tuple(_d.values())))

</pallas_src>

<mosaic_0001>
#map = affine_map<(d0, d1) -> (0)>
#map1 = affine_map<(d0, d1) -> (0, 0)>
module attributes {stable_mosaic.version = 14 : i64} {
  func.func @_sc_body(%arg0: i32, %arg1: i32, %arg2: memref<8340480xf32, #tpu.memory_space<hbm>>, %arg3: memref<32x760xi32, #tpu.memory_space<hbm>>, %arg4: memref<32x760xf32, #tpu.memory_space<hbm>>, %arg5: memref<32x360xi32, #tpu.memory_space<hbm>>, %arg6: memref<32x360xi32, #tpu.memory_space<hbm>>, %arg7: memref<32x360xi32, #tpu.memory_space<hbm>>, %arg8: memref<32x32xi32, #tpu.memory_space<hbm>>, %arg9: memref<32x32xi32, #tpu.memory_space<hbm>>, %arg10: memref<6289920xf32, #tpu.memory_space<hbm>>, %arg11: memref<760xi32, #tpu.memory_space<vmem>>, %arg12: memref<760xf32, #tpu.memory_space<vmem>>, %arg13: memref<360xi32, #tpu.memory_space<vmem>>, %arg14: memref<360xi32, #tpu.memory_space<vmem>>, %arg15: memref<360xi32, #tpu.memory_space<vmem>>, %arg16: memref<32xi32, #tpu.memory_space<vmem>>, %arg17: memref<32xi32, #tpu.memory_space<vmem>>, %arg18: memref<11520xf32, #tpu.memory_space<vmem>>, %arg19: memref<46080xf32, #tpu.memory_space<vmem>>, %arg20: memref<!tpu.dma_semaphore, #tpu.memory_space<semaphore_mem>>, %arg21: memref<!tpu.dma_semaphore, #tpu.memory_space<semaphore_mem>>) attributes {dimension_semantics = [#tpu.dimension_semantics<core_parallel>, #tpu.dimension_semantics<subcore_parallel>], iteration_bounds = array<i64: 2, 16>, scalar_prefetch = 0 : i64, scratch_operands = 11 : i64, tpu.core_type = #tpu.core_type<sc_vector_subcore>, window_params = [{transform_indices = #map}, {transform_indices = #map1}, {transform_indices = #map1}, {transform_indices = #map1}, {transform_indices = #map1}, {transform_indices = #map1}, {transform_indices = #map1}, {transform_indices = #map1}, {transform_indices = #map}]} {
    %mul3A = arith.constant 2 : i32
    %mul3A_0 = arith.muli %arg1, %mul3A : i32
    %add3A = arith.addi %mul3A_0, %arg0 : i32
    "tpu.region"() ({
      %run_scoped3A = tpu.sem_alloc : memref<!tpu.dma_semaphore, #tpu.memory_space<semaphore_mem>>
      %dma_start3A = arith.constant 0 : i32
      %dma_start3A_34 = tpu.memref_slice %arg3[%add3A, %dma_start3A] : memref<32x760xi32, #tpu.memory_space<hbm>> -> memref<1x760xi32, #tpu.memory_space<hbm>>
      %dma_start3A_35 = tpu.memref_squeeze %dma_start3A_34 : memref<1x760xi32, #tpu.memory_space<hbm>> -> memref<760xi32, #tpu.memory_space<hbm>>
      %dma_start3A_36 = arith.constant 0 : i32
      %dma_start3A_37 = tpu.memref_slice %arg3[%add3A, %dma_start3A_36] : memref<32x760xi32, #tpu.memory_space<hbm>> -> memref<1x760xi32, #tpu.memory_space<hbm>>
      %dma_start3A_38 = tpu.memref_squeeze %dma_start3A_37 : memref<1x760xi32, #tpu.memory_space<hbm>> -> memref<760xi32, #tpu.memory_space<hbm>>
      tpu.enqueue_dma source(%dma_start3A_38 : memref<760xi32, #tpu.memory_space<hbm>>) target(%arg11 : memref<760xi32, #tpu.memory_space<vmem>>) target_semaphore(%run_scoped3A : memref<!tpu.dma_semaphore, #tpu.memory_space<semaphore_mem>>)
      %dma_wait3A = arith.constant 0 : i32
      %dma_wait3A_39 = tpu.memref_slice %arg3[%add3A, %dma_wait3A] : memref<32x760xi32, #tpu.memory_space<hbm>> -> memref<1x760xi32, #tpu.memory_space<hbm>>
      %dma_wait3A_40 = tpu.memref_squeeze %dma_wait3A_39 : memref<1x760xi32, #tpu.memory_space<hbm>> -> memref<760xi32, #tpu.memory_space<hbm>>
      %dma_wait3A_41 = arith.constant 0 : i32
      %dma_wait3A_42 = tpu.memref_slice %arg3[%add3A, %dma_wait3A_41] : memref<32x760xi32, #tpu.memory_space<hbm>> -> memref<1x760xi32, #tpu.memory_space<hbm>>
      %dma_wait3A_43 = tpu.memref_squeeze %dma_wait3A_42 : memref<1x760xi32, #tpu.memory_space<hbm>> -> memref<760xi32, #tpu.memory_space<hbm>>
      tpu.wait_dma2 semaphore(%run_scoped3A : memref<!tpu.dma_semaphore, #tpu.memory_space<semaphore_mem>>) src(%dma_wait3A_43 : memref<760xi32, #tpu.memory_space<hbm>>) dst(%arg11 : memref<760xi32, #tpu.memory_space<vmem>>)
      tpu.yield
    }) : () -> ()
    "tpu.region"() ({
      %run_scoped3A = tpu.sem_alloc : memref<!tpu.dma_semaphore, #tpu.memory_space<semaphore_mem>>
      %dma_start3A = arith.constant 0 : i32
      %dma_start3A_34 = tpu.memref_slice %arg4[%add3A, %dma_start3A] : memref<32x760xf32, #tpu.memory_space<hbm>> -> memref<1x760xf32, #tpu.memory_space<hbm>>
      %dma_start3A_35 = tpu.memref_squeeze %dma_start3A_34 : memref<1x760xf32, #tpu.memory_space<hbm>> -> memref<760xf32, #tpu.memory_space<hbm>>
      %dma_start3A_36 = arith.constant 0 : i32
      %dma_start3A_37 = tpu.memref_slice %arg4[%add3A, %dma_start3A_36] : memref<32x760xf32, #tpu.memory_space<hbm>> -> memref<1x760xf32, #tpu.memory_space<hbm>>
      %dma_start3A_38 = tpu.memref_squeeze %dma_start3A_37 : memref<1x760xf32, #tpu.memory_space<hbm>> -> memref<760xf32, #tpu.memory_space<hbm>>
      tpu.enqueue_dma source(%dma_start3A_38 : memref<760xf32, #tpu.memory_space<hbm>>) target(%arg12 : memref<760xf32, #tpu.memory_space<vmem>>) target_semaphore(%run_scoped3A : memref<!tpu.dma_semaphore, #tpu.memory_space<semaphore_mem>>)
      %dma_wait3A = arith.constant 0 : i32
      %dma_wait3A_39 = tpu.memref_slice %arg4[%add3A, %dma_wait3A] : memref<32x760xf32, #tpu.memory_space<hbm>> -> memref<1x760xf32, #tpu.memory_space<hbm>>
      %dma_wait3A_40 = tpu.memref_squeeze %dma_wait3A_39 : memref<1x760xf32, #tpu.memory_space<hbm>> -> memref<760xf32, #tpu.memory_space<hbm>>
      %dma_wait3A_41 = arith.constant 0 : i32
      %dma_wait3A_42 = tpu.memref_slice %arg4[%add3A, %dma_wait3A_41] : memref<32x760xf32, #tpu.memory_space<hbm>> -> memref<1x760xf32, #tpu.memory_space<hbm>>
      %dma_wait3A_43 = tpu.memref_squeeze %dma_wait3A_42 : memref<1x760xf32, #tpu.memory_space<hbm>> -> memref<760xf32, #tpu.memory_space<hbm>>
      tpu.wait_dma2 semaphore(%run_scoped3A : memref<!tpu.dma_semaphore, #tpu.memory_space<semaphore_mem>>) src(%dma_wait3A_43 : memref<760xf32, #tpu.memory_space<hbm>>) dst(%arg12 : memref<760xf32, #tpu.memory_space<vmem>>)
      tpu.yield
    }) : () -> ()
    "tpu.region"() ({
      %run_scoped3A = tpu.sem_alloc : memref<!tpu.dma_semaphore, #tpu.memory_space<semaphore_mem>>
      %dma_start3A = arith.constant 0 : i32
      %dma_start3A_34 = tpu.memref_slice %arg5[%add3A, %dma_start3A] : memref<32x360xi32, #tpu.memory_space<hbm>> -> memref<1x360xi32, #tpu.memory_space<hbm>>
      %dma_start3A_35 = tpu.memref_squeeze %dma_start3A_34 : memref<1x360xi32, #tpu.memory_space<hbm>> -> memref<360xi32, #tpu.memory_space<hbm>>
      %dma_start3A_36 = arith.constant 0 : i32
      %dma_start3A_37 = tpu.memref_slice %arg5[%add3A, %dma_start3A_36] : memref<32x360xi32, #tpu.memory_space<hbm>> -> memref<1x360xi32, #tpu.memory_space<hbm>>
      %dma_start3A_38 = tpu.memref_squeeze %dma_start3A_37 : memref<1x360xi32, #tpu.memory_space<hbm>> -> memref<360xi32, #tpu.memory_space<hbm>>
      tpu.enqueue_dma source(%dma_start3A_38 : memref<360xi32, #tpu.memory_space<hbm>>) target(%arg13 : memref<360xi32, #tpu.memory_space<vmem>>) target_semaphore(%run_scoped3A : memref<!tpu.dma_semaphore, #tpu.memory_space<semaphore_mem>>)
      %dma_wait3A = arith.constant 0 : i32
      %dma_wait3A_39 = tpu.memref_slice %arg5[%add3A, %dma_wait3A] : memref<32x360xi32, #tpu.memory_space<hbm>> -> memref<1x360xi32, #tpu.memory_space<hbm>>
      %dma_wait3A_40 = tpu.memref_squeeze %dma_wait3A_39 : memref<1x360xi32, #tpu.memory_space<hbm>> -> memref<360xi32, #tpu.memory_space<hbm>>
      %dma_wait3A_41 = arith.constant 0 : i32
      %dma_wait3A_42 = tpu.memref_slice %arg5[%add3A, %dma_wait3A_41] : memref<32x360xi32, #tpu.memory_space<hbm>> -> memref<1x360xi32, #tpu.memory_space<hbm>>
      %dma_wait3A_43 = tpu.memref_squeeze %dma_wait3A_42 : memref<1x360xi32, #tpu.memory_space<hbm>> -> memref<360xi32, #tpu.memory_space<hbm>>
      tpu.wait_dma2 semaphore(%run_scoped3A : memref<!tpu.dma_semaphore, #tpu.memory_space<semaphore_mem>>) src(%dma_wait3A_43 : memref<360xi32, #tpu.memory_space<hbm>>) dst(%arg13 : memref<360xi32, #tpu.memory_space<vmem>>)
      tpu.yield
    }) : () -> ()
    "tpu.region"() ({
      %run_scoped3A = tpu.sem_alloc : memref<!tpu.dma_semaphore, #tpu.memory_space<semaphore_mem>>
      %dma_start3A = arith.constant 0 : i32
      %dma_start3A_34 = tpu.memref_slice %arg6[%add3A, %dma_start3A] : memref<32x360xi32, #tpu.memory_space<hbm>> -> memref<1x360xi32, #tpu.memory_space<hbm>>
      %dma_start3A_35 = tpu.memref_squeeze %dma_start3A_34 : memref<1x360xi32, #tpu.memory_space<hbm>> -> memref<360xi32, #tpu.memory_space<hbm>>
      %dma_start3A_36 = arith.constant 0 : i32
      %dma_start3A_37 = tpu.memref_slice %arg6[%add3A, %dma_start3A_36] : memref<32x360xi32, #tpu.memory_space<hbm>> -> memref<1x360xi32, #tpu.memory_space<hbm>>
      %dma_start3A_38 = tpu.memref_squeeze %dma_start3A_37 : memref<1x360xi32, #tpu.memory_space<hbm>> -> memref<360xi32, #tpu.memory_space<hbm>>
      tpu.enqueue_dma source(%dma_start3A_38 : memref<360xi32, #tpu.memory_space<hbm>>) target(%arg14 : memref<360xi32, #tpu.memory_space<vmem>>) target_semaphore(%run_scoped3A : memref<!tpu.dma_semaphore, #tpu.memory_space<semaphore_mem>>)
      %dma_wait3A = arith.constant 0 : i32
      %dma_wait3A_39 = tpu.memref_slice %arg6[%add3A, %dma_wait3A] : memref<32x360xi32, #tpu.memory_space<hbm>> -> memref<1x360xi32, #tpu.memory_space<hbm>>
      %dma_wait3A_40 = tpu.memref_squeeze %dma_wait3A_39 : memref<1x360xi32, #tpu.memory_space<hbm>> -> memref<360xi32, #tpu.memory_space<hbm>>
      %dma_wait3A_41 = arith.constant 0 : i32
      %dma_wait3A_42 = tpu.memref_slice %arg6[%add3A, %dma_wait3A_41] : memref<32x360xi32, #tpu.memory_space<hbm>> -> memref<1x360xi32, #tpu.memory_space<hbm>>
      %dma_wait3A_43 = tpu.memref_squeeze %dma_wait3A_42 : memref<1x360xi32, #tpu.memory_space<hbm>> -> memref<360xi32, #tpu.memory_space<hbm>>
      tpu.wait_dma2 semaphore(%run_scoped3A : memref<!tpu.dma_semaphore, #tpu.memory_space<semaphore_mem>>) src(%dma_wait3A_43 : memref<360xi32, #tpu.memory_space<hbm>>) dst(%arg14 : memref<360xi32, #tpu.memory_space<vmem>>)
      tpu.yield
    }) : () -> ()
    "tpu.region"() ({
      %run_scoped3A = tpu.sem_alloc : memref<!tpu.dma_semaphore, #tpu.memory_space<semaphore_mem>>
      %dma_start3A = arith.constant 0 : i32
      %dma_start3A_34 = tpu.memref_slice %arg7[%add3A, %dma_start3A] : memref<32x360xi32, #tpu.memory_space<hbm>> -> memref<1x360xi32, #tpu.memory_space<hbm>>
      %dma_start3A_35 = tpu.memref_squeeze %dma_start3A_34 : memref<1x360xi32, #tpu.memory_space<hbm>> -> memref<360xi32, #tpu.memory_space<hbm>>
      %dma_start3A_36 = arith.constant 0 : i32
      %dma_start3A_37 = tpu.memref_slice %arg7[%add3A, %dma_start3A_36] : memref<32x360xi32, #tpu.memory_space<hbm>> -> memref<1x360xi32, #tpu.memory_space<hbm>>
      %dma_start3A_38 = tpu.memref_squeeze %dma_start3A_37 : memref<1x360xi32, #tpu.memory_space<hbm>> -> memref<360xi32, #tpu.memory_space<hbm>>
      tpu.enqueue_dma source(%dma_start3A_38 : memref<360xi32, #tpu.memory_space<hbm>>) target(%arg15 : memref<360xi32, #tpu.memory_space<vmem>>) target_semaphore(%run_scoped3A : memref<!tpu.dma_semaphore, #tpu.memory_space<semaphore_mem>>)
      %dma_wait3A = arith.constant 0 : i32
      %dma_wait3A_39 = tpu.memref_slice %arg7[%add3A, %dma_wait3A] : memref<32x360xi32, #tpu.memory_space<hbm>> -> memref<1x360xi32, #tpu.memory_space<hbm>>
      %dma_wait3A_40 = tpu.memref_squeeze %dma_wait3A_39 : memref<1x360xi32, #tpu.memory_space<hbm>> -> memref<360xi32, #tpu.memory_space<hbm>>
      %dma_wait3A_41 = arith.constant 0 : i32
      %dma_wait3A_42 = tpu.memref_slice %arg7[%add3A, %dma_wait3A_41] : memref<32x360xi32, #tpu.memory_space<hbm>> -> memref<1x360xi32, #tpu.memory_space<hbm>>
      %dma_wait3A_43 = tpu.memref_squeeze %dma_wait3A_42 : memref<1x360xi32, #tpu.memory_space<hbm>> -> memref<360xi32, #tpu.memory_space<hbm>>
      tpu.wait_dma2 semaphore(%run_scoped3A : memref<!tpu.dma_semaphore, #tpu.memory_space<semaphore_mem>>) src(%dma_wait3A_43 : memref<360xi32, #tpu.memory_space<hbm>>) dst(%arg15 : memref<360xi32, #tpu.memory_space<vmem>>)
      tpu.yield
    }) : () -> ()
    "tpu.region"() ({
      %run_scoped3A = tpu.sem_alloc : memref<!tpu.dma_semaphore, #tpu.memory_space<semaphore_mem>>
      %dma_start3A = arith.constant 0 : i32
      %dma_start3A_34 = tpu.memref_slice %arg8[%add3A, %dma_start3A] : memref<32x32xi32, #tpu.memory_space<hbm>> -> memref<1x32xi32, #tpu.memory_space<hbm>>
      %dma_start3A_35 = tpu.memref_squeeze %dma_start3A_34 : memref<1x32xi32, #tpu.memory_space<hbm>> -> memref<32xi32, #tpu.memory_space<hbm>>
      %dma_start3A_36 = arith.constant 0 : i32
      %dma_start3A_37 = tpu.memref_slice %arg8[%add3A, %dma_start3A_36] : memref<32x32xi32, #tpu.memory_space<hbm>> -> memref<1x32xi32, #tpu.memory_space<hbm>>
      %dma_start3A_38 = tpu.memref_squeeze %dma_start3A_37 : memref<1x32xi32, #tpu.memory_space<hbm>> -> memref<32xi32, #tpu.memory_space<hbm>>
      tpu.enqueue_dma source(%dma_start3A_38 : memref<32xi32, #tpu.memory_space<hbm>>) target(%arg16 : memref<32xi32, #tpu.memory_space<vmem>>) target_semaphore(%run_scoped3A : memref<!tpu.dma_semaphore, #tpu.memory_space<semaphore_mem>>)
      %dma_wait3A = arith.constant 0 : i32
      %dma_wait3A_39 = tpu.memref_slice %arg8[%add3A, %dma_wait3A] : memref<32x32xi32, #tpu.memory_space<hbm>> -> memref<1x32xi32, #tpu.memory_space<hbm>>
      %dma_wait3A_40 = tpu.memref_squeeze %dma_wait3A_39 : memref<1x32xi32, #tpu.memory_space<hbm>> -> memref<32xi32, #tpu.memory_space<hbm>>
      %dma_wait3A_41 = arith.constant 0 : i32
      %dma_wait3A_42 = tpu.memref_slice %arg8[%add3A, %dma_wait3A_41] : memref<32x32xi32, #tpu.memory_space<hbm>> -> memref<1x32xi32, #tpu.memory_space<hbm>>
      %dma_wait3A_43 = tpu.memref_squeeze %dma_wait3A_42 : memref<1x32xi32, #tpu.memory_space<hbm>> -> memref<32xi32, #tpu.memory_space<hbm>>
      tpu.wait_dma2 semaphore(%run_scoped3A : memref<!tpu.dma_semaphore, #tpu.memory_space<semaphore_mem>>) src(%dma_wait3A_43 : memref<32xi32, #tpu.memory_space<hbm>>) dst(%arg16 : memref<32xi32, #tpu.memory_space<vmem>>)
      tpu.yield
    }) : () -> ()
    "tpu.region"() ({
      %run_scoped3A = tpu.sem_alloc : memref<!tpu.dma_semaphore, #tpu.memory_space<semaphore_mem>>
      %dma_start3A = arith.constant 0 : i32
      %dma_start3A_34 = tpu.memref_slice %arg9[%add3A, %dma_start3A] : memref<32x32xi32, #tpu.memory_space<hbm>> -> memref<1x32xi32, #tpu.memory_space<hbm>>
      %dma_start3A_35 = tpu.memref_squeeze %dma_start3A_34 : memref<1x32xi32, #tpu.memory_space<hbm>> -> memref<32xi32, #tpu.memory_space<hbm>>
      %dma_start3A_36 = arith.constant 0 : i32
      %dma_start3A_37 = tpu.memref_slice %arg9[%add3A, %dma_start3A_36] : memref<32x32xi32, #tpu.memory_space<hbm>> -> memref<1x32xi32, #tpu.memory_space<hbm>>
      %dma_start3A_38 = tpu.memref_squeeze %dma_start3A_37 : memref<1x32xi32, #tpu.memory_space<hbm>> -> memref<32xi32, #tpu.memory_space<hbm>>
      tpu.enqueue_dma source(%dma_start3A_38 : memref<32xi32, #tpu.memory_space<hbm>>) target(%arg17 : memref<32xi32, #tpu.memory_space<vmem>>) target_semaphore(%run_scoped3A : memref<!tpu.dma_semaphore, #tpu.memory_space<semaphore_mem>>)
      %dma_wait3A = arith.constant 0 : i32
      %dma_wait3A_39 = tpu.memref_slice %arg9[%add3A, %dma_wait3A] : memref<32x32xi32, #tpu.memory_space<hbm>> -> memref<1x32xi32, #tpu.memory_space<hbm>>
      %dma_wait3A_40 = tpu.memref_squeeze %dma_wait3A_39 : memref<1x32xi32, #tpu.memory_space<hbm>> -> memref<32xi32, #tpu.memory_space<hbm>>
      %dma_wait3A_41 = arith.constant 0 : i32
      %dma_wait3A_42 = tpu.memref_slice %arg9[%add3A, %dma_wait3A_41] : memref<32x32xi32, #tpu.memory_space<hbm>> -> memref<1x32xi32, #tpu.memory_space<hbm>>
      %dma_wait3A_43 = tpu.memref_squeeze %dma_wait3A_42 : memref<1x32xi32, #tpu.memory_space<hbm>> -> memref<32xi32, #tpu.memory_space<hbm>>
      tpu.wait_dma2 semaphore(%run_scoped3A : memref<!tpu.dma_semaphore, #tpu.memory_space<semaphore_mem>>) src(%dma_wait3A_43 : memref<32xi32, #tpu.memory_space<hbm>>) dst(%arg17 : memref<32xi32, #tpu.memory_space<vmem>>)
      tpu.yield
    }) : () -> ()
    %get3A = arith.constant 0 : index
    %get3A_1 = tpu.vector_load %arg16[%get3A] {strides = array<i32>} : memref<32xi32, #tpu.memory_space<vmem>>, vector<16xi32>,
    %get3A_2 = vector.shape_cast %get3A_1 : vector<16xi32> to vector<16xi32>
    %slice3A = vector.extract_strided_slice %get3A_2 {offsets = [0], sizes = [1], strides = [1]} : vector<16xi32> to vector<1xi32>
    %squeeze3A = vector.extract %slice3A[0] : i32 from vector<1xi32>
    %get3A_3 = arith.constant 1 : index
    %get3A_4 = tpu.vector_load %arg16[%get3A_3] {strides = array<i32>} : memref<32xi32, #tpu.memory_space<vmem>>, vector<16xi32>,
    %get3A_5 = vector.shape_cast %get3A_4 : vector<16xi32> to vector<16xi32>
    %slice3A_6 = vector.extract_strided_slice %get3A_5 {offsets = [0], sizes = [1], strides = [1]} : vector<16xi32> to vector<1xi32>
    %squeeze3A_7 = vector.extract %slice3A_6[0] : i32 from vector<1xi32>
    %broadcast_in_dim3A = arith.constant 0.000000e+00 : f32
    %broadcast_in_dim3A_8 = vector.broadcast %broadcast_in_dim3A : f32 to vector<16xf32>
    %parallel_loop3A = arith.constant 0 : i32
    %parallel_loop3A_9 = arith.constant 11520 : i32
    %parallel_loop3A_10 = arith.constant 16 : i32
    scf.for %parallel_loop3A_34 = %parallel_loop3A to %parallel_loop3A_9 step %parallel_loop3A_10  : i32 {
      %parallel_loop3A_35 = arith.index_cast %parallel_loop3A_34 : i32 to index
      %parallel_loop3A_36 = tpu.vector_load %arg18[%parallel_loop3A_35] {strides = array<i32>} : memref<11520xf32, #tpu.memory_space<vmem>>, vector<16xf32>,
      %parallel_loop3A_37 = vector.shape_cast %parallel_loop3A_36 : vector<16xf32> to vector<16xf32>
      %parallel_loop3A_38 = vector.shape_cast %broadcast_in_dim3A_8 : vector<16xf32> to vector<16xf32>
      tpu.vector_store %arg18[%parallel_loop3A_35], %parallel_loop3A_38 {strides = array<i32>} : memref<11520xf32, #tpu.memory_space<vmem>>, vector<16xf32>,
    } {sc.loop_unroll_factor = 8 : i64, sc.parallel_access}
    %gt3A = arith.constant 0 : i32
    %gt3A_11 = arith.cmpi sgt, %squeeze3A, %gt3A : i32
    %convert_element_type3A = arith.extui %gt3A_11 : i1 to i32
    %cond3A = arith.constant 0 : i32
    %cond3A_12 = arith.cmpi ne, %convert_element_type3A, %cond3A : i32
    scf.if %cond3A_12 {
      %get3A_34 = arith.constant 0 : index
      %get3A_35 = tpu.vector_load %arg13[%get3A_34] {strides = array<i32>} : memref<360xi32, #tpu.memory_space<vmem>>, vector<16xi32>,
      %get3A_36 = vector.shape_cast %get3A_35 : vector<16xi32> to vector<16xi32>
      %slice3A_37 = vector.extract_strided_slice %get3A_36 {offsets = [0], sizes = [1], strides = [1]} : vector<16xi32> to vector<1xi32>
      %squeeze3A_38 = vector.extract %slice3A_37[0] : i32 from vector<1xi32>
      %multiple_of3A = tpu.assume_multiple %squeeze3A_38, 128 : i32
      %dma_start3A = arith.constant 0 : i32
      %dma_start3A_39 = tpu.memref_slice %arg19[%dma_start3A] : memref<46080xf32, #tpu.memory_space<vmem>> -> memref<23040xf32, #tpu.memory_space<vmem>>
      %dma_start3A_40 = tpu.memref_slice %arg2[%multiple_of3A] : memref<8340480xf32, #tpu.memory_space<hbm>> -> memref<23040xf32, #tpu.memory_space<hbm>>
      %dma_start3A_41 = arith.constant 0 : i32
      %dma_start3A_42 = tpu.memref_slice %arg19[%dma_start3A_41] : memref<46080xf32, #tpu.memory_space<vmem>> -> memref<23040xf32, #tpu.memory_space<vmem>>
      %dma_start3A_43 = tpu.memref_slice %arg2[%multiple_of3A] : memref<8340480xf32, #tpu.memory_space<hbm>> -> memref<23040xf32, #tpu.memory_space<hbm>>
      tpu.enqueue_dma source(%dma_start3A_43 : memref<23040xf32, #tpu.memory_space<hbm>>) target(%dma_start3A_42 : memref<23040xf32, #tpu.memory_space<vmem>>) target_semaphore(%arg20 : memref<!tpu.dma_semaphore, #tpu.memory_space<semaphore_mem>>)
    } else {
    }
    %while3A = arith.constant 0 : i32
    %while3A_13 = arith.constant 0 : i32
    %while3A_14 = arith.subi %squeeze3A, %while3A : i32
    %while3A_15 = arith.addi %while3A, %while3A_14 : i32
    %while3A_16 = arith.constant 1 : i32
    %while3A_17 = arith.divsi %while3A_14, %while3A_16 : i32
    %while3A_18 = arith.muli %while3A_17, %while3A_16 : i32
    %while3A_19 = arith.addi %while3A, %while3A_18 : i32
    %while3A_20 = arith.constant 1 : i32
    %while3A_21 = scf.for %while3A_34 = %while3A to %while3A_19 step %while3A_20 iter_args(%while3A_35 = %while3A_13) -> (i32)  : i32 {
      %get3A_36 = arith.index_cast %while3A_34 : i32 to index
      %get3A_37 = tpu.vector_load %arg14[%get3A_36] {strides = array<i32>} : memref<360xi32, #tpu.memory_space<vmem>>, vector<16xi32>,
      %get3A_38 = vector.shape_cast %get3A_37 : vector<16xi32> to vector<16xi32>
      %slice3A_39 = vector.extract_strided_slice %get3A_38 {offsets = [0], sizes = [1], strides = [1]} : vector<16xi32> to vector<1xi32>
      %squeeze3A_40 = vector.extract %slice3A_39[0] : i32 from vector<1xi32>
      %jit3A = arith.constant 2 : i32
      %eq3A = arith.constant 0 : i32
      %eq3A_41 = arith.cmpi eq, %jit3A, %eq3A : i32
      %jit3A_42 = arith.constant 1 : i32
      %select_n3A = arith.select %eq3A_41, %jit3A_42, %jit3A : i32
      %rem3A = arith.remsi %while3A_34, %select_n3A : i32
      %ne3A = arith.constant 0 : i32
      %ne3A_43 = arith.cmpi ne, %rem3A, %ne3A : i32
      %lt3A = arith.constant 0 : i32
      %lt3A_44 = arith.cmpi slt, %rem3A, %lt3A : i32
      %lt3A_45 = arith.constant 0 : i32
      %lt3A_46 = arith.cmpi slt, %select_n3A, %lt3A_45 : i32
      %ne3A_47 = arith.xori %lt3A_44, %lt3A_46 : i1
      %and3A = arith.andi %ne3A_47, %ne3A_43 : i1
      %add3A_48 = arith.addi %rem3A, %select_n3A : i32
      %select_n3A_49 = arith.select %and3A, %add3A_48, %rem3A : i32
      %eq3A_50 = arith.constant 0 : i32
      %eq3A_51 = arith.cmpi eq, %select_n3A_49, %eq3A_50 : i32
      %convert_element_type3A_52 = arith.extui %eq3A_51 : i1 to i32
      %cond3A_53 = arith.constant 0 : i32
      %cond3A_54 = arith.cmpi ne, %convert_element_type3A_52, %cond3A_53 : i32
      scf.if %cond3A_54 {
        %dma_wait3A = arith.constant 0 : i32
        %dma_wait3A_86 = tpu.memref_slice %arg19[%dma_wait3A] : memref<46080xf32, #tpu.memory_space<vmem>> -> memref<23040xf32, #tpu.memory_space<vmem>>
        %dma_wait3A_87 = arith.constant 0 : i32
        %dma_wait3A_88 = tpu.memref_slice %arg2[%dma_wait3A_87] : memref<8340480xf32, #tpu.memory_space<hbm>> -> memref<23040xf32, #tpu.memory_space<hbm>>
        %dma_wait3A_89 = arith.constant 0 : i32
        %dma_wait3A_90 = tpu.memref_slice %arg19[%dma_wait3A_89] : memref<46080xf32, #tpu.memory_space<vmem>> -> memref<23040xf32, #tpu.memory_space<vmem>>
        %dma_wait3A_91 = arith.constant 0 : i32
        %dma_wait3A_92 = tpu.memref_slice %arg2[%dma_wait3A_91] : memref<8340480xf32, #tpu.memory_space<hbm>> -> memref<23040xf32, #tpu.memory_space<hbm>>
        tpu.wait_dma2 semaphore(%arg20 : memref<!tpu.dma_semaphore, #tpu.memory_space<semaphore_mem>>) src(%dma_wait3A_92 : memref<23040xf32, #tpu.memory_space<hbm>>) dst(%dma_wait3A_90 : memref<23040xf32, #tpu.memory_space<vmem>>)
        %add3A_93 = arith.constant 1 : i32
        %add3A_94 = arith.addi %while3A_34, %add3A_93 : i32
        %lt3A_95 = arith.cmpi slt, %add3A_94, %squeeze3A : i32
        %convert_element_type3A_96 = arith.extui %lt3A_95 : i1 to i32
        %cond3A_97 = arith.constant 0 : i32
        %cond3A_98 = arith.cmpi ne, %convert_element_type3A_96, %cond3A_97 : i32
        scf.if %cond3A_98 {
          %add3A_109 = arith.constant 1 : i32
          %add3A_110 = arith.addi %while3A_34, %add3A_109 : i32
          %get3A_111 = arith.index_cast %add3A_110 : i32 to index
          %get3A_112 = tpu.vector_load %arg13[%get3A_111] {strides = array<i32>} : memref<360xi32, #tpu.memory_space<vmem>>, vector<16xi32>,
          %get3A_113 = vector.shape_cast %get3A_112 : vector<16xi32> to vector<16xi32>
          %slice3A_114 = vector.extract_strided_slice %get3A_113 {offsets = [0], sizes = [1], strides = [1]} : vector<16xi32> to vector<1xi32>
          %squeeze3A_115 = vector.extract %slice3A_114[0] : i32 from vector<1xi32>
          %multiple_of3A = tpu.assume_multiple %squeeze3A_115, 128 : i32
          %dma_start3A = arith.constant 23040 : i32
          %dma_start3A_116 = tpu.memref_slice %arg19[%dma_start3A] : memref<46080xf32, #tpu.memory_space<vmem>> -> memref<23040xf32, #tpu.memory_space<vmem>>
          %dma_start3A_117 = tpu.memref_slice %arg2[%multiple_of3A] : memref<8340480xf32, #tpu.memory_space<hbm>> -> memref<23040xf32, #tpu.memory_space<hbm>>
          %dma_start3A_118 = arith.constant 23040 : i32
          %dma_start3A_119 = tpu.memref_slice %arg19[%dma_start3A_118] : memref<46080xf32, #tpu.memory_space<vmem>> -> memref<23040xf32, #tpu.memory_space<vmem>>
          %dma_start3A_120 = tpu.memref_slice %arg2[%multiple_of3A] : memref<8340480xf32, #tpu.memory_space<hbm>> -> memref<23040xf32, #tpu.memory_space<hbm>>
          tpu.enqueue_dma source(%dma_start3A_120 : memref<23040xf32, #tpu.memory_space<hbm>>) target(%dma_start3A_119 : memref<23040xf32, #tpu.memory_space<vmem>>) target_semaphore(%arg21 : memref<!tpu.dma_semaphore, #tpu.memory_space<semaphore_mem>>)
        } else {
        }
        %while3A_99 = arith.constant 0 : i32
        %while3A_100 = arith.constant 0 : i32
        %while3A_101 = arith.subi %squeeze3A_40, %while3A_100 : i32
        %while3A_102 = arith.addi %while3A_100, %while3A_101 : i32
        %while3A_103 = arith.constant 1 : i32
        %while3A_104 = arith.divsi %while3A_101, %while3A_103 : i32
        %while3A_105 = arith.muli %while3A_104, %while3A_103 : i32
        %while3A_106 = arith.addi %while3A_100, %while3A_105 : i32
        %while3A_107 = arith.constant 1 : i32
        scf.for %while3A_109 = %while3A_100 to %while3A_106 step %while3A_107  : i32 {
          %add3A_110 = arith.addi %while3A_35, %while3A_109 : i32
          %get3A_111 = arith.index_cast %add3A_110 : i32 to index
          %get3A_112 = tpu.vector_load %arg11[%get3A_111] {strides = array<i32>} : memref<760xi32, #tpu.memory_space<vmem>>, vector<16xi32>,
          %get3A_113 = vector.shape_cast %get3A_112 : vector<16xi32> to vector<16xi32>
          %slice3A_114 = vector.extract_strided_slice %get3A_113 {offsets = [0], sizes = [1], strides = [1]} : vector<16xi32> to vector<1xi32>
          %squeeze3A_115 = vector.extract %slice3A_114[0] : i32 from vector<1xi32>
          %multiple_of3A = tpu.assume_multiple %squeeze3A_115, 64 : i32
          %get3A_116 = arith.index_cast %add3A_110 : i32 to index
          %get3A_117 = tpu.vector_load %arg12[%get3A_116] {strides = array<i32>} : memref<760xf32, #tpu.memory_space<vmem>>, vector<16xf32>,
          %get3A_118 = vector.shape_cast %get3A_117 : vector<16xf32> to vector<16xf32>
          %slice3A_119 = vector.extract_strided_slice %get3A_118 {offsets = [0], sizes = [1], strides = [1]} : vector<16xf32> to vector<1xf32>
          %squeeze3A_120 = vector.extract %slice3A_119[0] : f32 from vector<1xf32>
          %add3A_121 = arith.constant 0 : i32
          %add3A_122 = arith.addi %add3A_121, %multiple_of3A : i32
          %parallel_loop3A_123 = arith.constant 0 : i32
          %parallel_loop3A_124 = arith.constant 11520 : i32
          %parallel_loop3A_125 = arith.constant 16 : i32
          scf.for %parallel_loop3A_126 = %parallel_loop3A_123 to %parallel_loop3A_124 step %parallel_loop3A_125  : i32 {
            %parallel_loop3A_127 = arith.addi %add3A_122, %parallel_loop3A_126 : i32
            %parallel_loop3A_128 = arith.index_cast %parallel_loop3A_127 : i32 to index
            %parallel_loop3A_129 = tpu.vector_load %arg19[%parallel_loop3A_128] {strides = array<i32>} : memref<46080xf32, #tpu.memory_space<vmem>>, vector<16xf32>,
            %parallel_loop3A_130 = vector.shape_cast %parallel_loop3A_129 : vector<16xf32> to vector<16xf32>
            %parallel_loop3A_131 = vector.broadcast %squeeze3A_120 : f32 to vector<16xf32>
            %parallel_loop3A_132 = arith.mulf %parallel_loop3A_131, %parallel_loop3A_130 : vector<16xf32>
            %parallel_loop3A_133 = arith.index_cast %parallel_loop3A_126 : i32 to index
            %parallel_loop3A_134 = tpu.vector_load %arg18[%parallel_loop3A_133] {strides = array<i32>} : memref<11520xf32, #tpu.memory_space<vmem>>, vector<16xf32>,
            %parallel_loop3A_135 = vector.shape_cast %parallel_loop3A_134 : vector<16xf32> to vector<16xf32>
            %parallel_loop3A_136 = vector.shape_cast %parallel_loop3A_132 : vector<16xf32> to vector<16xf32>
            tpu.vector_store %arg18[%parallel_loop3A_133], %parallel_loop3A_136 {add = true, strides = array<i32>} : memref<11520xf32, #tpu.memory_space<vmem>>, vector<16xf32>,
          } {sc.loop_unroll_factor = 8 : i64, sc.parallel_access}
        }
        %while3A_108 = arith.constant 1 : i32
        scf.for %while3A_109 = %while3A_106 to %while3A_102 step %while3A_108  : i32 {
          %add3A_110 = arith.addi %while3A_35, %while3A_109 : i32
          %get3A_111 = arith.index_cast %add3A_110 : i32 to index
          %get3A_112 = tpu.vector_load %arg11[%get3A_111] {strides = array<i32>} : memref<760xi32, #tpu.memory_space<vmem>>, vector<16xi32>,
          %get3A_113 = vector.shape_cast %get3A_112 : vector<16xi32> to vector<16xi32>
          %slice3A_114 = vector.extract_strided_slice %get3A_113 {offsets = [0], sizes = [1], strides = [1]} : vector<16xi32> to vector<1xi32>
          %squeeze3A_115 = vector.extract %slice3A_114[0] : i32 from vector<1xi32>
          %multiple_of3A = tpu.assume_multiple %squeeze3A_115, 64 : i32
          %get3A_116 = arith.index_cast %add3A_110 : i32 to index
          %get3A_117 = tpu.vector_load %arg12[%get3A_116] {strides = array<i32>} : memref<760xf32, #tpu.memory_space<vmem>>, vector<16xf32>,
          %get3A_118 = vector.shape_cast %get3A_117 : vector<16xf32> to vector<16xf32>
          %slice3A_119 = vector.extract_strided_slice %get3A_118 {offsets = [0], sizes = [1], strides = [1]} : vector<16xf32> to vector<1xf32>
          %squeeze3A_120 = vector.extract %slice3A_119[0] : f32 from vector<1xf32>
          %add3A_121 = arith.constant 0 : i32
          %add3A_122 = arith.addi %add3A_121, %multiple_of3A : i32
          %parallel_loop3A_123 = arith.constant 0 : i32
          %parallel_loop3A_124 = arith.constant 11520 : i32
          %parallel_loop3A_125 = arith.constant 16 : i32
          scf.for %parallel_loop3A_126 = %parallel_loop3A_123 to %parallel_loop3A_124 step %parallel_loop3A_125  : i32 {
            %parallel_loop3A_127 = arith.addi %add3A_122, %parallel_loop3A_126 : i32
            %parallel_loop3A_128 = arith.index_cast %parallel_loop3A_127 : i32 to index
            %parallel_loop3A_129 = tpu.vector_load %arg19[%parallel_loop3A_128] {strides = array<i32>} : memref<46080xf32, #tpu.memory_space<vmem>>, vector<16xf32>,
            %parallel_loop3A_130 = vector.shape_cast %parallel_loop3A_129 : vector<16xf32> to vector<16xf32>
            %parallel_loop3A_131 = vector.broadcast %squeeze3A_120 : f32 to vector<16xf32>
            %parallel_loop3A_132 = arith.mulf %parallel_loop3A_131, %parallel_loop3A_130 : vector<16xf32>
            %parallel_loop3A_133 = arith.index_cast %parallel_loop3A_126 : i32 to index
            %parallel_loop3A_134 = tpu.vector_load %arg18[%parallel_loop3A_133] {strides = array<i32>} : memref<11520xf32, #tpu.memory_space<vmem>>, vector<16xf32>,
            %parallel_loop3A_135 = vector.shape_cast %parallel_loop3A_134 : vector<16xf32> to vector<16xf32>
            %parallel_loop3A_136 = vector.shape_cast %parallel_loop3A_132 : vector<16xf32> to vector<16xf32>
            tpu.vector_store %arg18[%parallel_loop3A_133], %parallel_loop3A_136 {add = true, strides = array<i32>} : memref<11520xf32, #tpu.memory_space<vmem>>, vector<16xf32>,
          } {sc.loop_unroll_factor = 8 : i64, sc.parallel_access}
        }
      } else {
      }
      %jit3A_55 = arith.constant 2 : i32
      %eq3A_56 = arith.constant 0 : i32
      %eq3A_57 = arith.cmpi eq, %jit3A_55, %eq3A_56 : i32
      %jit3A_58 = arith.constant 1 : i32
      %select_n3A_59 = arith.select %eq3A_57, %jit3A_58, %jit3A_55 : i32
      %rem3A_60 = arith.remsi %while3A_34, %select_n3A_59 : i32
      %ne3A_61 = arith.constant 0 : i32
      %ne3A_62 = arith.cmpi ne, %rem3A_60, %ne3A_61 : i32
      %lt3A_63 = arith.constant 0 : i32
      %lt3A_64 = arith.cmpi slt, %rem3A_60, %lt3A_63 : i32
      %lt3A_65 = arith.constant 0 : i32
      %lt3A_66 = arith.cmpi slt, %select_n3A_59, %lt3A_65 : i32
      %ne3A_67 = arith.xori %lt3A_64, %lt3A_66 : i1
      %and3A_68 = arith.andi %ne3A_67, %ne3A_62 : i1
      %add3A_69 = arith.addi %rem3A_60, %select_n3A_59 : i32
      %select_n3A_70 = arith.select %and3A_68, %add3A_69, %rem3A_60 : i32
      %eq3A_71 = arith.constant 1 : i32
      %eq3A_72 = arith.cmpi eq, %select_n3A_70, %eq3A_71 : i32
      %convert_element_type3A_73 = arith.extui %eq3A_72 : i1 to i32
      %cond3A_74 = arith.constant 0 : i32
      %cond3A_75 = arith.cmpi ne, %convert_element_type3A_73, %cond3A_74 : i32
      scf.if %cond3A_75 {
        %dma_wait3A = arith.constant 23040 : i32
        %dma_wait3A_86 = tpu.memref_slice %arg19[%dma_wait3A] : memref<46080xf32, #tpu.memory_space<vmem>> -> memref<23040xf32, #tpu.memory_space<vmem>>
        %dma_wait3A_87 = arith.constant 0 : i32
        %dma_wait3A_88 = tpu.memref_slice %arg2[%dma_wait3A_87] : memref<8340480xf32, #tpu.memory_space<hbm>> -> memref<23040xf32, #tpu.memory_space<hbm>>
        %dma_wait3A_89 = arith.constant 23040 : i32
        %dma_wait3A_90 = tpu.memref_slice %arg19[%dma_wait3A_89] : memref<46080xf32, #tpu.memory_space<vmem>> -> memref<23040xf32, #tpu.memory_space<vmem>>
        %dma_wait3A_91 = arith.constant 0 : i32
        %dma_wait3A_92 = tpu.memref_slice %arg2[%dma_wait3A_91] : memref<8340480xf32, #tpu.memory_space<hbm>> -> memref<23040xf32, #tpu.memory_space<hbm>>
        tpu.wait_dma2 semaphore(%arg21 : memref<!tpu.dma_semaphore, #tpu.memory_space<semaphore_mem>>) src(%dma_wait3A_92 : memref<23040xf32, #tpu.memory_space<hbm>>) dst(%dma_wait3A_90 : memref<23040xf32, #tpu.memory_space<vmem>>)
        %add3A_93 = arith.constant 1 : i32
        %add3A_94 = arith.addi %while3A_34, %add3A_93 : i32
        %lt3A_95 = arith.cmpi slt, %add3A_94, %squeeze3A : i32
        %convert_element_type3A_96 = arith.extui %lt3A_95 : i1 to i32
        %cond3A_97 = arith.constant 0 : i32
        %cond3A_98 = arith.cmpi ne, %convert_element_type3A_96, %cond3A_97 : i32
        scf.if %cond3A_98 {
          %add3A_109 = arith.constant 1 : i32
          %add3A_110 = arith.addi %while3A_34, %add3A_109 : i32
          %get3A_111 = arith.index_cast %add3A_110 : i32 to index
          %get3A_112 = tpu.vector_load %arg13[%get3A_111] {strides = array<i32>} : memref<360xi32, #tpu.memory_space<vmem>>, vector<16xi32>,
          %get3A_113 = vector.shape_cast %get3A_112 : vector<16xi32> to vector<16xi32>
          %slice3A_114 = vector.extract_strided_slice %get3A_113 {offsets = [0], sizes = [1], strides = [1]} : vector<16xi32> to vector<1xi32>
          %squeeze3A_115 = vector.extract %slice3A_114[0] : i32 from vector<1xi32>
          %multiple_of3A = tpu.assume_multiple %squeeze3A_115, 128 : i32
          %dma_start3A = arith.constant 0 : i32
          %dma_start3A_116 = tpu.memref_slice %arg19[%dma_start3A] : memref<46080xf32, #tpu.memory_space<vmem>> -> memref<23040xf32, #tpu.memory_space<vmem>>
          %dma_start3A_117 = tpu.memref_slice %arg2[%multiple_of3A] : memref<8340480xf32, #tpu.memory_space<hbm>> -> memref<23040xf32, #tpu.memory_space<hbm>>
          %dma_start3A_118 = arith.constant 0 : i32
          %dma_start3A_119 = tpu.memref_slice %arg19[%dma_start3A_118] : memref<46080xf32, #tpu.memory_space<vmem>> -> memref<23040xf32, #tpu.memory_space<vmem>>
          %dma_start3A_120 = tpu.memref_slice %arg2[%multiple_of3A] : memref<8340480xf32, #tpu.memory_space<hbm>> -> memref<23040xf32, #tpu.memory_space<hbm>>
          tpu.enqueue_dma source(%dma_start3A_120 : memref<23040xf32, #tpu.memory_space<hbm>>) target(%dma_start3A_119 : memref<23040xf32, #tpu.memory_space<vmem>>) target_semaphore(%arg20 : memref<!tpu.dma_semaphore, #tpu.memory_space<semaphore_mem>>)
        } else {
        }
        %while3A_99 = arith.constant 0 : i32
        %while3A_100 = arith.constant 0 : i32
        %while3A_101 = arith.subi %squeeze3A_40, %while3A_100 : i32
        %while3A_102 = arith.addi %while3A_100, %while3A_101 : i32
        %while3A_103 = arith.constant 1 : i32
        %while3A_104 = arith.divsi %while3A_101, %while3A_103 : i32
        %while3A_105 = arith.muli %while3A_104, %while3A_103 : i32
        %while3A_106 = arith.addi %while3A_100, %while3A_105 : i32
        %while3A_107 = arith.constant 1 : i32
        scf.for %while3A_109 = %while3A_100 to %while3A_106 step %while3A_107  : i32 {
          %add3A_110 = arith.addi %while3A_35, %while3A_109 : i32
          %get3A_111 = arith.index_cast %add3A_110 : i32 to index
          %get3A_112 = tpu.vector_load %arg11[%get3A_111] {strides = array<i32>} : memref<760xi32, #tpu.memory_space<vmem>>, vector<16xi32>,
          %get3A_113 = vector.shape_cast %get3A_112 : vector<16xi32> to vector<16xi32>
          %slice3A_114 = vector.extract_strided_slice %get3A_113 {offsets = [0], sizes = [1], strides = [1]} : vector<16xi32> to vector<1xi32>
          %squeeze3A_115 = vector.extract %slice3A_114[0] : i32 from vector<1xi32>
          %multiple_of3A = tpu.assume_multiple %squeeze3A_115, 64 : i32
          %get3A_116 = arith.index_cast %add3A_110 : i32 to index
          %get3A_117 = tpu.vector_load %arg12[%get3A_116] {strides = array<i32>} : memref<760xf32, #tpu.memory_space<vmem>>, vector<16xf32>,
          %get3A_118 = vector.shape_cast %get3A_117 : vector<16xf32> to vector<16xf32>
          %slice3A_119 = vector.extract_strided_slice %get3A_118 {offsets = [0], sizes = [1], strides = [1]} : vector<16xf32> to vector<1xf32>
          %squeeze3A_120 = vector.extract %slice3A_119[0] : f32 from vector<1xf32>
          %add3A_121 = arith.constant 23040 : i32
          %add3A_122 = arith.addi %add3A_121, %multiple_of3A : i32
          %parallel_loop3A_123 = arith.constant 0 : i32
          %parallel_loop3A_124 = arith.constant 11520 : i32
          %parallel_loop3A_125 = arith.constant 16 : i32
          scf.for %parallel_loop3A_126 = %parallel_loop3A_123 to %parallel_loop3A_124 step %parallel_loop3A_125  : i32 {
            %parallel_loop3A_127 = arith.addi %add3A_122, %parallel_loop3A_126 : i32
            %parallel_loop3A_128 = arith.index_cast %parallel_loop3A_127 : i32 to index
            %parallel_loop3A_129 = tpu.vector_load %arg19[%parallel_loop3A_128] {strides = array<i32>} : memref<46080xf32, #tpu.memory_space<vmem>>, vector<16xf32>,
            %parallel_loop3A_130 = vector.shape_cast %parallel_loop3A_129 : vector<16xf32> to vector<16xf32>
            %parallel_loop3A_131 = vector.broadcast %squeeze3A_120 : f32 to vector<16xf32>
            %parallel_loop3A_132 = arith.mulf %parallel_loop3A_131, %parallel_loop3A_130 : vector<16xf32>
            %parallel_loop3A_133 = arith.index_cast %parallel_loop3A_126 : i32 to index
            %parallel_loop3A_134 = tpu.vector_load %arg18[%parallel_loop3A_133] {strides = array<i32>} : memref<11520xf32, #tpu.memory_space<vmem>>, vector<16xf32>,
            %parallel_loop3A_135 = vector.shape_cast %parallel_loop3A_134 : vector<16xf32> to vector<16xf32>
            %parallel_loop3A_136 = vector.shape_cast %parallel_loop3A_132 : vector<16xf32> to vector<16xf32>
            tpu.vector_store %arg18[%parallel_loop3A_133], %parallel_loop3A_136 {add = true, strides = array<i32>} : memref<11520xf32, #tpu.memory_space<vmem>>, vector<16xf32>,
          } {sc.loop_unroll_factor = 8 : i64, sc.parallel_access}
        }
        %while3A_108 = arith.constant 1 : i32
        scf.for %while3A_109 = %while3A_106 to %while3A_102 step %while3A_108  : i32 {
          %add3A_110 = arith.addi %while3A_35, %while3A_109 : i32
          %get3A_111 = arith.index_cast %add3A_110 : i32 to index
          %get3A_112 = tpu.vector_load %arg11[%get3A_111] {strides = array<i32>} : memref<760xi32, #tpu.memory_space<vmem>>, vector<16xi32>,
          %get3A_113 = vector.shape_cast %get3A_112 : vector<16xi32> to vector<16xi32>
          %slice3A_114 = vector.extract_strided_slice %get3A_113 {offsets = [0], sizes = [1], strides = [1]} : vector<16xi32> to vector<1xi32>
          %squeeze3A_115 = vector.extract %slice3A_114[0] : i32 from vector<1xi32>
          %multiple_of3A = tpu.assume_multiple %squeeze3A_115, 64 : i32
          %get3A_116 = arith.index_cast %add3A_110 : i32 to index
          %get3A_117 = tpu.vector_load %arg12[%get3A_116] {strides = array<i32>} : memref<760xf32, #tpu.memory_space<vmem>>, vector<16xf32>,
          %get3A_118 = vector.shape_cast %get3A_117 : vector<16xf32> to vector<16xf32>
          %slice3A_119 = vector.extract_strided_slice %get3A_118 {offsets = [0], sizes = [1], strides = [1]} : vector<16xf32> to vector<1xf32>
          %squeeze3A_120 = vector.extract %slice3A_119[0] : f32 from vector<1xf32>
          %add3A_121 = arith.constant 23040 : i32
          %add3A_122 = arith.addi %add3A_121, %multiple_of3A : i32
          %parallel_loop3A_123 = arith.constant 0 : i32
          %parallel_loop3A_124 = arith.constant 11520 : i32
          %parallel_loop3A_125 = arith.constant 16 : i32
          scf.for %parallel_loop3A_126 = %parallel_loop3A_123 to %parallel_loop3A_124 step %parallel_loop3A_125  : i32 {
            %parallel_loop3A_127 = arith.addi %add3A_122, %parallel_loop3A_126 : i32
            %parallel_loop3A_128 = arith.index_cast %parallel_loop3A_127 : i32 to index
            %parallel_loop3A_129 = tpu.vector_load %arg19[%parallel_loop3A_128] {strides = array<i32>} : memref<46080xf32, #tpu.memory_space<vmem>>, vector<16xf32>,
            %parallel_loop3A_130 = vector.shape_cast %parallel_loop3A_129 : vector<16xf32> to vector<16xf32>
            %parallel_loop3A_131 = vector.broadcast %squeeze3A_120 : f32 to vector<16xf32>
            %parallel_loop3A_132 = arith.mulf %parallel_loop3A_131, %parallel_loop3A_130 : vector<16xf32>
            %parallel_loop3A_133 = arith.index_cast %parallel_loop3A_126 : i32 to index
            %parallel_loop3A_134 = tpu.vector_load %arg18[%parallel_loop3A_133] {strides = array<i32>} : memref<11520xf32, #tpu.memory_space<vmem>>, vector<16xf32>,
            %parallel_loop3A_135 = vector.shape_cast %parallel_loop3A_134 : vector<16xf32> to vector<16xf32>
            %parallel_loop3A_136 = vector.shape_cast %parallel_loop3A_132 : vector<16xf32> to vector<16xf32>
            tpu.vector_store %arg18[%parallel_loop3A_133], %parallel_loop3A_136 {add = true, strides = array<i32>} : memref<11520xf32, #tpu.memory_space<vmem>>, vector<16xf32>,
          } {sc.loop_unroll_factor = 8 : i64, sc.parallel_access}
        }
      } else {
      }
      %get3A_76 = arith.index_cast %while3A_34 : i32 to index
      %get3A_77 = tpu.vector_load %arg15[%get3A_76] {strides = array<i32>} : memref<360xi32, #tpu.memory_space<vmem>>, vector<16xi32>,
      %get3A_78 = vector.shape_cast %get3A_77 : vector<16xi32> to vector<16xi32>
      %slice3A_79 = vector.extract_strided_slice %get3A_78 {offsets = [0], sizes = [1], strides = [1]} : vector<16xi32> to vector<1xi32>
      %squeeze3A_80 = vector.extract %slice3A_79[0] : i32 from vector<1xi32>
      %ge3A = arith.constant 0 : i32
      %ge3A_81 = arith.cmpi sge, %squeeze3A_80, %ge3A : i32
      %convert_element_type3A_82 = arith.extui %ge3A_81 : i1 to i32
      %cond3A_83 = arith.constant 0 : i32
      %cond3A_84 = arith.cmpi ne, %convert_element_type3A_82, %cond3A_83 : i32
      scf.if %cond3A_84 {
        %multiple_of3A = tpu.assume_multiple %squeeze3A_80, 128 : i32
        "tpu.region"() ({
          %run_scoped3A = tpu.sem_alloc : memref<!tpu.dma_semaphore, #tpu.memory_space<semaphore_mem>>
          %dma_start3A = tpu.memref_slice %arg10[%multiple_of3A] : memref<6289920xf32, #tpu.memory_space<hbm>> -> memref<11520xf32, #tpu.memory_space<hbm>>
          %dma_start3A_89 = tpu.memref_slice %arg10[%multiple_of3A] : memref<6289920xf32, #tpu.memory_space<hbm>> -> memref<11520xf32, #tpu.memory_space<hbm>>
          tpu.enqueue_dma source(%arg18 : memref<11520xf32, #tpu.memory_space<vmem>>) target(%dma_start3A_89 : memref<11520xf32, #tpu.memory_space<hbm>>) target_semaphore(%run_scoped3A : memref<!tpu.dma_semaphore, #tpu.memory_space<semaphore_mem>>)
          %dma_wait3A = tpu.memref_slice %arg10[%multiple_of3A] : memref<6289920xf32, #tpu.memory_space<hbm>> -> memref<11520xf32, #tpu.memory_space<hbm>>
          %dma_wait3A_90 = tpu.memref_slice %arg10[%multiple_of3A] : memref<6289920xf32, #tpu.memory_space<hbm>> -> memref<11520xf32, #tpu.memory_space<hbm>>
          tpu.wait_dma2 semaphore(%run_scoped3A : memref<!tpu.dma_semaphore, #tpu.memory_space<semaphore_mem>>) src(%arg18 : memref<11520xf32, #tpu.memory_space<vmem>>) dst(%dma_wait3A_90 : memref<11520xf32, #tpu.memory_space<hbm>>)
          tpu.yield
        }) : () -> ()
        %parallel_loop3A_86 = arith.constant 0 : i32
        %parallel_loop3A_87 = arith.constant 11520 : i32
        %parallel_loop3A_88 = arith.constant 16 : i32
        scf.for %parallel_loop3A_89 = %parallel_loop3A_86 to %parallel_loop3A_87 step %parallel_loop3A_88  : i32 {
          %parallel_loop3A_90 = arith.index_cast %parallel_loop3A_89 : i32 to index
          %parallel_loop3A_91 = tpu.vector_load %arg18[%parallel_loop3A_90] {strides = array<i32>} : memref<11520xf32, #tpu.memory_space<vmem>>, vector<16xf32>,
          %parallel_loop3A_92 = vector.shape_cast %parallel_loop3A_91 : vector<16xf32> to vector<16xf32>
          %parallel_loop3A_93 = vector.shape_cast %broadcast_in_dim3A_8 : vector<16xf32> to vector<16xf32>
          tpu.vector_store %arg18[%parallel_loop3A_90], %parallel_loop3A_93 {strides = array<i32>} : memref<11520xf32, #tpu.memory_space<vmem>>, vector<16xf32>,
        } {sc.loop_unroll_factor = 8 : i64, sc.parallel_access}
      } else {
      }
      %add3A_85 = arith.addi %while3A_35, %squeeze3A_40 : i32
      scf.yield %add3A_85 : i32
    }
    %while3A_22 = arith.constant 1 : i32
    %while3A_23 = scf.for %while3A_34 = %while3A_19 to %while3A_15 step %while3A_22 iter_args(%while3A_35 = %while3A_21) -> (i32)  : i32 {
      %get3A_36 = arith.index_cast %while3A_34 : i32 to index
      %get3A_37 = tpu.vector_load %arg14[%get3A_36] {strides = array<i32>} : memref<360xi32, #tpu.memory_space<vmem>>, vector<16xi32>,
      %get3A_38 = vector.shape_cast %get3A_37 : vector<16xi32> to vector<16xi32>
      %slice3A_39 = vector.extract_strided_slice %get3A_38 {offsets = [0], sizes = [1], strides = [1]} : vector<16xi32> to vector<1xi32>
      %squeeze3A_40 = vector.extract %slice3A_39[0] : i32 from vector<1xi32>
      %jit3A = arith.constant 2 : i32
      %eq3A = arith.constant 0 : i32
      %eq3A_41 = arith.cmpi eq, %jit3A, %eq3A : i32
      %jit3A_42 = arith.constant 1 : i32
      %select_n3A = arith.select %eq3A_41, %jit3A_42, %jit3A : i32
      %rem3A = arith.remsi %while3A_34, %select_n3A : i32
      %ne3A = arith.constant 0 : i32
      %ne3A_43 = arith.cmpi ne, %rem3A, %ne3A : i32
      %lt3A = arith.constant 0 : i32
      %lt3A_44 = arith.cmpi slt, %rem3A, %lt3A : i32
      %lt3A_45 = arith.constant 0 : i32
      %lt3A_46 = arith.cmpi slt, %select_n3A, %lt3A_45 : i32
      %ne3A_47 = arith.xori %lt3A_44, %lt3A_46 : i1
      %and3A = arith.andi %ne3A_47, %ne3A_43 : i1
      %add3A_48 = arith.addi %rem3A, %select_n3A : i32
      %select_n3A_49 = arith.select %and3A, %add3A_48, %rem3A : i32
      %eq3A_50 = arith.constant 0 : i32
      %eq3A_51 = arith.cmpi eq, %select_n3A_49, %eq3A_50 : i32
      %convert_element_type3A_52 = arith.extui %eq3A_51 : i1 to i32
      %cond3A_53 = arith.constant 0 : i32
      %cond3A_54 = arith.cmpi ne, %convert_element_type3A_52, %cond3A_53 : i32
      scf.if %cond3A_54 {
        %dma_wait3A = arith.constant 0 : i32
        %dma_wait3A_86 = tpu.memref_slice %arg19[%dma_wait3A] : memref<46080xf32, #tpu.memory_space<vmem>> -> memref<23040xf32, #tpu.memory_space<vmem>>
        %dma_wait3A_87 = arith.constant 0 : i32
        %dma_wait3A_88 = tpu.memref_slice %arg2[%dma_wait3A_87] : memref<8340480xf32, #tpu.memory_space<hbm>> -> memref<23040xf32, #tpu.memory_space<hbm>>
        %dma_wait3A_89 = arith.constant 0 : i32
        %dma_wait3A_90 = tpu.memref_slice %arg19[%dma_wait3A_89] : memref<46080xf32, #tpu.memory_space<vmem>> -> memref<23040xf32, #tpu.memory_space<vmem>>
        %dma_wait3A_91 = arith.constant 0 : i32
        %dma_wait3A_92 = tpu.memref_slice %arg2[%dma_wait3A_91] : memref<8340480xf32, #tpu.memory_space<hbm>> -> memref<23040xf32, #tpu.memory_space<hbm>>
        tpu.wait_dma2 semaphore(%arg20 : memref<!tpu.dma_semaphore, #tpu.memory_space<semaphore_mem>>) src(%dma_wait3A_92 : memref<23040xf32, #tpu.memory_space<hbm>>) dst(%dma_wait3A_90 : memref<23040xf32, #tpu.memory_space<vmem>>)
        %add3A_93 = arith.constant 1 : i32
        %add3A_94 = arith.addi %while3A_34, %add3A_93 : i32
        %lt3A_95 = arith.cmpi slt, %add3A_94, %squeeze3A : i32
        %convert_element_type3A_96 = arith.extui %lt3A_95 : i1 to i32
        %cond3A_97 = arith.constant 0 : i32
        %cond3A_98 = arith.cmpi ne, %convert_element_type3A_96, %cond3A_97 : i32
        scf.if %cond3A_98 {
          %add3A_109 = arith.constant 1 : i32
          %add3A_110 = arith.addi %while3A_34, %add3A_109 : i32
          %get3A_111 = arith.index_cast %add3A_110 : i32 to index
          %get3A_112 = tpu.vector_load %arg13[%get3A_111] {strides = array<i32>} : memref<360xi32, #tpu.memory_space<vmem>>, vector<16xi32>,
          %get3A_113 = vector.shape_cast %get3A_112 : vector<16xi32> to vector<16xi32>
          %slice3A_114 = vector.extract_strided_slice %get3A_113 {offsets = [0], sizes = [1], strides = [1]} : vector<16xi32> to vector<1xi32>
          %squeeze3A_115 = vector.extract %slice3A_114[0] : i32 from vector<1xi32>
          %multiple_of3A = tpu.assume_multiple %squeeze3A_115, 128 : i32
          %dma_start3A = arith.constant 23040 : i32
          %dma_start3A_116 = tpu.memref_slice %arg19[%dma_start3A] : memref<46080xf32, #tpu.memory_space<vmem>> -> memref<23040xf32, #tpu.memory_space<vmem>>
          %dma_start3A_117 = tpu.memref_slice %arg2[%multiple_of3A] : memref<8340480xf32, #tpu.memory_space<hbm>> -> memref<23040xf32, #tpu.memory_space<hbm>>
          %dma_start3A_118 = arith.constant 23040 : i32
          %dma_start3A_119 = tpu.memref_slice %arg19[%dma_start3A_118] : memref<46080xf32, #tpu.memory_space<vmem>> -> memref<23040xf32, #tpu.memory_space<vmem>>
          %dma_start3A_120 = tpu.memref_slice %arg2[%multiple_of3A] : memref<8340480xf32, #tpu.memory_space<hbm>> -> memref<23040xf32, #tpu.memory_space<hbm>>
          tpu.enqueue_dma source(%dma_start3A_120 : memref<23040xf32, #tpu.memory_space<hbm>>) target(%dma_start3A_119 : memref<23040xf32, #tpu.memory_space<vmem>>) target_semaphore(%arg21 : memref<!tpu.dma_semaphore, #tpu.memory_space<semaphore_mem>>)
        } else {
        }
        %while3A_99 = arith.constant 0 : i32
        %while3A_100 = arith.constant 0 : i32
        %while3A_101 = arith.subi %squeeze3A_40, %while3A_100 : i32
        %while3A_102 = arith.addi %while3A_100, %while3A_101 : i32
        %while3A_103 = arith.constant 1 : i32
        %while3A_104 = arith.divsi %while3A_101, %while3A_103 : i32
        %while3A_105 = arith.muli %while3A_104, %while3A_103 : i32
        %while3A_106 = arith.addi %while3A_100, %while3A_105 : i32
        %while3A_107 = arith.constant 1 : i32
        scf.for %while3A_109 = %while3A_100 to %while3A_106 step %while3A_107  : i32 {
          %add3A_110 = arith.addi %while3A_35, %while3A_109 : i32
          %get3A_111 = arith.index_cast %add3A_110 : i32 to index
          %get3A_112 = tpu.vector_load %arg11[%get3A_111] {strides = array<i32>} : memref<760xi32, #tpu.memory_space<vmem>>, vector<16xi32>,
          %get3A_113 = vector.shape_cast %get3A_112 : vector<16xi32> to vector<16xi32>
          %slice3A_114 = vector.extract_strided_slice %get3A_113 {offsets = [0], sizes = [1], strides = [1]} : vector<16xi32> to vector<1xi32>
          %squeeze3A_115 = vector.extract %slice3A_114[0] : i32 from vector<1xi32>
          %multiple_of3A = tpu.assume_multiple %squeeze3A_115, 64 : i32
          %get3A_116 = arith.index_cast %add3A_110 : i32 to index
          %get3A_117 = tpu.vector_load %arg12[%get3A_116] {strides = array<i32>} : memref<760xf32, #tpu.memory_space<vmem>>, vector<16xf32>,
          %get3A_118 = vector.shape_cast %get3A_117 : vector<16xf32> to vector<16xf32>
          %slice3A_119 = vector.extract_strided_slice %get3A_118 {offsets = [0], sizes = [1], strides = [1]} : vector<16xf32> to vector<1xf32>
          %squeeze3A_120 = vector.extract %slice3A_119[0] : f32 from vector<1xf32>
          %add3A_121 = arith.constant 0 : i32
          %add3A_122 = arith.addi %add3A_121, %multiple_of3A : i32
          %parallel_loop3A_123 = arith.constant 0 : i32
          %parallel_loop3A_124 = arith.constant 11520 : i32
          %parallel_loop3A_125 = arith.constant 16 : i32
          scf.for %parallel_loop3A_126 = %parallel_loop3A_123 to %parallel_loop3A_124 step %parallel_loop3A_125  : i32 {
            %parallel_loop3A_127 = arith.addi %add3A_122, %parallel_loop3A_126 : i32
            %parallel_loop3A_128 = arith.index_cast %parallel_loop3A_127 : i32 to index
            %parallel_loop3A_129 = tpu.vector_load %arg19[%parallel_loop3A_128] {strides = array<i32>} : memref<46080xf32, #tpu.memory_space<vmem>>, vector<16xf32>,
            %parallel_loop3A_130 = vector.shape_cast %parallel_loop3A_129 : vector<16xf32> to vector<16xf32>
            %parallel_loop3A_131 = vector.broadcast %squeeze3A_120 : f32 to vector<16xf32>
            %parallel_loop3A_132 = arith.mulf %parallel_loop3A_131, %parallel_loop3A_130 : vector<16xf32>
            %parallel_loop3A_133 = arith.index_cast %parallel_loop3A_126 : i32 to index
            %parallel_loop3A_134 = tpu.vector_load %arg18[%parallel_loop3A_133] {strides = array<i32>} : memref<11520xf32, #tpu.memory_space<vmem>>, vector<16xf32>,
            %parallel_loop3A_135 = vector.shape_cast %parallel_loop3A_134 : vector<16xf32> to vector<16xf32>
            %parallel_loop3A_136 = vector.shape_cast %parallel_loop3A_132 : vector<16xf32> to vector<16xf32>
            tpu.vector_store %arg18[%parallel_loop3A_133], %parallel_loop3A_136 {add = true, strides = array<i32>} : memref<11520xf32, #tpu.memory_space<vmem>>, vector<16xf32>,
          } {sc.loop_unroll_factor = 8 : i64, sc.parallel_access}
        }
        %while3A_108 = arith.constant 1 : i32
        scf.for %while3A_109 = %while3A_106 to %while3A_102 step %while3A_108  : i32 {
          %add3A_110 = arith.addi %while3A_35, %while3A_109 : i32
          %get3A_111 = arith.index_cast %add3A_110 : i32 to index
          %get3A_112 = tpu.vector_load %arg11[%get3A_111] {strides = array<i32>} : memref<760xi32, #tpu.memory_space<vmem>>, vector<16xi32>,
          %get3A_113 = vector.shape_cast %get3A_112 : vector<16xi32> to vector<16xi32>
          %slice3A_114 = vector.extract_strided_slice %get3A_113 {offsets = [0], sizes = [1], strides = [1]} : vector<16xi32> to vector<1xi32>
          %squeeze3A_115 = vector.extract %slice3A_114[0] : i32 from vector<1xi32>
          %multiple_of3A = tpu.assume_multiple %squeeze3A_115, 64 : i32
          %get3A_116 = arith.index_cast %add3A_110 : i32 to index
          %get3A_117 = tpu.vector_load %arg12[%get3A_116] {strides = array<i32>} : memref<760xf32, #tpu.memory_space<vmem>>, vector<16xf32>,
          %get3A_118 = vector.shape_cast %get3A_117 : vector<16xf32> to vector<16xf32>
          %slice3A_119 = vector.extract_strided_slice %get3A_118 {offsets = [0], sizes = [1], strides = [1]} : vector<16xf32> to vector<1xf32>
          %squeeze3A_120 = vector.extract %slice3A_119[0] : f32 from vector<1xf32>
          %add3A_121 = arith.constant 0 : i32
          %add3A_122 = arith.addi %add3A_121, %multiple_of3A : i32
          %parallel_loop3A_123 = arith.constant 0 : i32
          %parallel_loop3A_124 = arith.constant 11520 : i32
          %parallel_loop3A_125 = arith.constant 16 : i32
          scf.for %parallel_loop3A_126 = %parallel_loop3A_123 to %parallel_loop3A_124 step %parallel_loop3A_125  : i32 {
            %parallel_loop3A_127 = arith.addi %add3A_122, %parallel_loop3A_126 : i32
            %parallel_loop3A_128 = arith.index_cast %parallel_loop3A_127 : i32 to index
            %parallel_loop3A_129 = tpu.vector_load %arg19[%parallel_loop3A_128] {strides = array<i32>} : memref<46080xf32, #tpu.memory_space<vmem>>, vector<16xf32>,
            %parallel_loop3A_130 = vector.shape_cast %parallel_loop3A_129 : vector<16xf32> to vector<16xf32>
            %parallel_loop3A_131 = vector.broadcast %squeeze3A_120 : f32 to vector<16xf32>
            %parallel_loop3A_132 = arith.mulf %parallel_loop3A_131, %parallel_loop3A_130 : vector<16xf32>
            %parallel_loop3A_133 = arith.index_cast %parallel_loop3A_126 : i32 to index
            %parallel_loop3A_134 = tpu.vector_load %arg18[%parallel_loop3A_133] {strides = array<i32>} : memref<11520xf32, #tpu.memory_space<vmem>>, vector<16xf32>,
            %parallel_loop3A_135 = vector.shape_cast %parallel_loop3A_134 : vector<16xf32> to vector<16xf32>
            %parallel_loop3A_136 = vector.shape_cast %parallel_loop3A_132 : vector<16xf32> to vector<16xf32>
            tpu.vector_store %arg18[%parallel_loop3A_133], %parallel_loop3A_136 {add = true, strides = array<i32>} : memref<11520xf32, #tpu.memory_space<vmem>>, vector<16xf32>,
          } {sc.loop_unroll_factor = 8 : i64, sc.parallel_access}
        }
      } else {
      }
      %jit3A_55 = arith.constant 2 : i32
      %eq3A_56 = arith.constant 0 : i32
      %eq3A_57 = arith.cmpi eq, %jit3A_55, %eq3A_56 : i32
      %jit3A_58 = arith.constant 1 : i32
      %select_n3A_59 = arith.select %eq3A_57, %jit3A_58, %jit3A_55 : i32
      %rem3A_60 = arith.remsi %while3A_34, %select_n3A_59 : i32
      %ne3A_61 = arith.constant 0 : i32
      %ne3A_62 = arith.cmpi ne, %rem3A_60, %ne3A_61 : i32
      %lt3A_63 = arith.constant 0 : i32
      %lt3A_64 = arith.cmpi slt, %rem3A_60, %lt3A_63 : i32
      %lt3A_65 = arith.constant 0 : i32
      %lt3A_66 = arith.cmpi slt, %select_n3A_59, %lt3A_65 : i32
      %ne3A_67 = arith.xori %lt3A_64, %lt3A_66 : i1
      %and3A_68 = arith.andi %ne3A_67, %ne3A_62 : i1
      %add3A_69 = arith.addi %rem3A_60, %select_n3A_59 : i32
      %select_n3A_70 = arith.select %and3A_68, %add3A_69, %rem3A_60 : i32
      %eq3A_71 = arith.constant 1 : i32
      %eq3A_72 = arith.cmpi eq, %select_n3A_70, %eq3A_71 : i32
      %convert_element_type3A_73 = arith.extui %eq3A_72 : i1 to i32
      %cond3A_74 = arith.constant 0 : i32
      %cond3A_75 = arith.cmpi ne, %convert_element_type3A_73, %cond3A_74 : i32
      scf.if %cond3A_75 {
        %dma_wait3A = arith.constant 23040 : i32
        %dma_wait3A_86 = tpu.memref_slice %arg19[%dma_wait3A] : memref<46080xf32, #tpu.memory_space<vmem>> -> memref<23040xf32, #tpu.memory_space<vmem>>
        %dma_wait3A_87 = arith.constant 0 : i32
        %dma_wait3A_88 = tpu.memref_slice %arg2[%dma_wait3A_87] : memref<8340480xf32, #tpu.memory_space<hbm>> -> memref<23040xf32, #tpu.memory_space<hbm>>
        %dma_wait3A_89 = arith.constant 23040 : i32
        %dma_wait3A_90 = tpu.memref_slice %arg19[%dma_wait3A_89] : memref<46080xf32, #tpu.memory_space<vmem>> -> memref<23040xf32, #tpu.memory_space<vmem>>
        %dma_wait3A_91 = arith.constant 0 : i32
        %dma_wait3A_92 = tpu.memref_slice %arg2[%dma_wait3A_91] : memref<8340480xf32, #tpu.memory_space<hbm>> -> memref<23040xf32, #tpu.memory_space<hbm>>
        tpu.wait_dma2 semaphore(%arg21 : memref<!tpu.dma_semaphore, #tpu.memory_space<semaphore_mem>>) src(%dma_wait3A_92 : memref<23040xf32, #tpu.memory_space<hbm>>) dst(%dma_wait3A_90 : memref<23040xf32, #tpu.memory_space<vmem>>)
        %add3A_93 = arith.constant 1 : i32
        %add3A_94 = arith.addi %while3A_34, %add3A_93 : i32
        %lt3A_95 = arith.cmpi slt, %add3A_94, %squeeze3A : i32
        %convert_element_type3A_96 = arith.extui %lt3A_95 : i1 to i32
        %cond3A_97 = arith.constant 0 : i32
        %cond3A_98 = arith.cmpi ne, %convert_element_type3A_96, %cond3A_97 : i32
        scf.if %cond3A_98 {
          %add3A_109 = arith.constant 1 : i32
          %add3A_110 = arith.addi %while3A_34, %add3A_109 : i32
          %get3A_111 = arith.index_cast %add3A_110 : i32 to index
          %get3A_112 = tpu.vector_load %arg13[%get3A_111] {strides = array<i32>} : memref<360xi32, #tpu.memory_space<vmem>>, vector<16xi32>,
          %get3A_113 = vector.shape_cast %get3A_112 : vector<16xi32> to vector<16xi32>
          %slice3A_114 = vector.extract_strided_slice %get3A_113 {offsets = [0], sizes = [1], strides = [1]} : vector<16xi32> to vector<1xi32>
          %squeeze3A_115 = vector.extract %slice3A_114[0] : i32 from vector<1xi32>
          %multiple_of3A = tpu.assume_multiple %squeeze3A_115, 128 : i32
          %dma_start3A = arith.constant 0 : i32
          %dma_start3A_116 = tpu.memref_slice %arg19[%dma_start3A] : memref<46080xf32, #tpu.memory_space<vmem>> -> memref<23040xf32, #tpu.memory_space<vmem>>
          %dma_start3A_117 = tpu.memref_slice %arg2[%multiple_of3A] : memref<8340480xf32, #tpu.memory_space<hbm>> -> memref<23040xf32, #tpu.memory_space<hbm>>
          %dma_start3A_118 = arith.constant 0 : i32
          %dma_start3A_119 = tpu.memref_slice %arg19[%dma_start3A_118] : memref<46080xf32, #tpu.memory_space<vmem>> -> memref<23040xf32, #tpu.memory_space<vmem>>
          %dma_start3A_120 = tpu.memref_slice %arg2[%multiple_of3A] : memref<8340480xf32, #tpu.memory_space<hbm>> -> memref<23040xf32, #tpu.memory_space<hbm>>
          tpu.enqueue_dma source(%dma_start3A_120 : memref<23040xf32, #tpu.memory_space<hbm>>) target(%dma_start3A_119 : memref<23040xf32, #tpu.memory_space<vmem>>) target_semaphore(%arg20 : memref<!tpu.dma_semaphore, #tpu.memory_space<semaphore_mem>>)
        } else {
        }
        %while3A_99 = arith.constant 0 : i32
        %while3A_100 = arith.constant 0 : i32
        %while3A_101 = arith.subi %squeeze3A_40, %while3A_100 : i32
        %while3A_102 = arith.addi %while3A_100, %while3A_101 : i32
        %while3A_103 = arith.constant 1 : i32
        %while3A_104 = arith.divsi %while3A_101, %while3A_103 : i32
        %while3A_105 = arith.muli %while3A_104, %while3A_103 : i32
        %while3A_106 = arith.addi %while3A_100, %while3A_105 : i32
        %while3A_107 = arith.constant 1 : i32
        scf.for %while3A_109 = %while3A_100 to %while3A_106 step %while3A_107  : i32 {
          %add3A_110 = arith.addi %while3A_35, %while3A_109 : i32
          %get3A_111 = arith.index_cast %add3A_110 : i32 to index
          %get3A_112 = tpu.vector_load %arg11[%get3A_111] {strides = array<i32>} : memref<760xi32, #tpu.memory_space<vmem>>, vector<16xi32>,
          %get3A_113 = vector.shape_cast %get3A_112 : vector<16xi32> to vector<16xi32>
          %slice3A_114 = vector.extract_strided_slice %get3A_113 {offsets = [0], sizes = [1], strides = [1]} : vector<16xi32> to vector<1xi32>
          %squeeze3A_115 = vector.extract %slice3A_114[0] : i32 from vector<1xi32>
          %multiple_of3A = tpu.assume_multiple %squeeze3A_115, 64 : i32
          %get3A_116 = arith.index_cast %add3A_110 : i32 to index
          %get3A_117 = tpu.vector_load %arg12[%get3A_116] {strides = array<i32>} : memref<760xf32, #tpu.memory_space<vmem>>, vector<16xf32>,
          %get3A_118 = vector.shape_cast %get3A_117 : vector<16xf32> to vector<16xf32>
          %slice3A_119 = vector.extract_strided_slice %get3A_118 {offsets = [0], sizes = [1], strides = [1]} : vector<16xf32> to vector<1xf32>
          %squeeze3A_120 = vector.extract %slice3A_119[0] : f32 from vector<1xf32>
          %add3A_121 = arith.constant 23040 : i32
          %add3A_122 = arith.addi %add3A_121, %multiple_of3A : i32
          %parallel_loop3A_123 = arith.constant 0 : i32
          %parallel_loop3A_124 = arith.constant 11520 : i32
          %parallel_loop3A_125 = arith.constant 16 : i32
          scf.for %parallel_loop3A_126 = %parallel_loop3A_123 to %parallel_loop3A_124 step %parallel_loop3A_125  : i32 {
            %parallel_loop3A_127 = arith.addi %add3A_122, %parallel_loop3A_126 : i32
            %parallel_loop3A_128 = arith.index_cast %parallel_loop3A_127 : i32 to index
            %parallel_loop3A_129 = tpu.vector_load %arg19[%parallel_loop3A_128] {strides = array<i32>} : memref<46080xf32, #tpu.memory_space<vmem>>, vector<16xf32>,
            %parallel_loop3A_130 = vector.shape_cast %parallel_loop3A_129 : vector<16xf32> to vector<16xf32>
            %parallel_loop3A_131 = vector.broadcast %squeeze3A_120 : f32 to vector<16xf32>
            %parallel_loop3A_132 = arith.mulf %parallel_loop3A_131, %parallel_loop3A_130 : vector<16xf32>
            %parallel_loop3A_133 = arith.index_cast %parallel_loop3A_126 : i32 to index
            %parallel_loop3A_134 = tpu.vector_load %arg18[%parallel_loop3A_133] {strides = array<i32>} : memref<11520xf32, #tpu.memory_space<vmem>>, vector<16xf32>,
            %parallel_loop3A_135 = vector.shape_cast %parallel_loop3A_134 : vector<16xf32> to vector<16xf32>
            %parallel_loop3A_136 = vector.shape_cast %parallel_loop3A_132 : vector<16xf32> to vector<16xf32>
            tpu.vector_store %arg18[%parallel_loop3A_133], %parallel_loop3A_136 {add = true, strides = array<i32>} : memref<11520xf32, #tpu.memory_space<vmem>>, vector<16xf32>,
          } {sc.loop_unroll_factor = 8 : i64, sc.parallel_access}
        }
        %while3A_108 = arith.constant 1 : i32
        scf.for %while3A_109 = %while3A_106 to %while3A_102 step %while3A_108  : i32 {
          %add3A_110 = arith.addi %while3A_35, %while3A_109 : i32
          %get3A_111 = arith.index_cast %add3A_110 : i32 to index
          %get3A_112 = tpu.vector_load %arg11[%get3A_111] {strides = array<i32>} : memref<760xi32, #tpu.memory_space<vmem>>, vector<16xi32>,
          %get3A_113 = vector.shape_cast %get3A_112 : vector<16xi32> to vector<16xi32>
          %slice3A_114 = vector.extract_strided_slice %get3A_113 {offsets = [0], sizes = [1], strides = [1]} : vector<16xi32> to vector<1xi32>
          %squeeze3A_115 = vector.extract %slice3A_114[0] : i32 from vector<1xi32>
          %multiple_of3A = tpu.assume_multiple %squeeze3A_115, 64 : i32
          %get3A_116 = arith.index_cast %add3A_110 : i32 to index
          %get3A_117 = tpu.vector_load %arg12[%get3A_116] {strides = array<i32>} : memref<760xf32, #tpu.memory_space<vmem>>, vector<16xf32>,
          %get3A_118 = vector.shape_cast %get3A_117 : vector<16xf32> to vector<16xf32>
          %slice3A_119 = vector.extract_strided_slice %get3A_118 {offsets = [0], sizes = [1], strides = [1]} : vector<16xf32> to vector<1xf32>
          %squeeze3A_120 = vector.extract %slice3A_119[0] : f32 from vector<1xf32>
          %add3A_121 = arith.constant 23040 : i32
          %add3A_122 = arith.addi %add3A_121, %multiple_of3A : i32
          %parallel_loop3A_123 = arith.constant 0 : i32
          %parallel_loop3A_124 = arith.constant 11520 : i32
          %parallel_loop3A_125 = arith.constant 16 : i32
          scf.for %parallel_loop3A_126 = %parallel_loop3A_123 to %parallel_loop3A_124 step %parallel_loop3A_125  : i32 {
            %parallel_loop3A_127 = arith.addi %add3A_122, %parallel_loop3A_126 : i32
            %parallel_loop3A_128 = arith.index_cast %parallel_loop3A_127 : i32 to index
            %parallel_loop3A_129 = tpu.vector_load %arg19[%parallel_loop3A_128] {strides = array<i32>} : memref<46080xf32, #tpu.memory_space<vmem>>, vector<16xf32>,
            %parallel_loop3A_130 = vector.shape_cast %parallel_loop3A_129 : vector<16xf32> to vector<16xf32>
            %parallel_loop3A_131 = vector.broadcast %squeeze3A_120 : f32 to vector<16xf32>
            %parallel_loop3A_132 = arith.mulf %parallel_loop3A_131, %parallel_loop3A_130 : vector<16xf32>
            %parallel_loop3A_133 = arith.index_cast %parallel_loop3A_126 : i32 to index
            %parallel_loop3A_134 = tpu.vector_load %arg18[%parallel_loop3A_133] {strides = array<i32>} : memref<11520xf32, #tpu.memory_space<vmem>>, vector<16xf32>,
            %parallel_loop3A_135 = vector.shape_cast %parallel_loop3A_134 : vector<16xf32> to vector<16xf32>
            %parallel_loop3A_136 = vector.shape_cast %parallel_loop3A_132 : vector<16xf32> to vector<16xf32>
            tpu.vector_store %arg18[%parallel_loop3A_133], %parallel_loop3A_136 {add = true, strides = array<i32>} : memref<11520xf32, #tpu.memory_space<vmem>>, vector<16xf32>,
          } {sc.loop_unroll_factor = 8 : i64, sc.parallel_access}
        }
      } else {
      }
      %get3A_76 = arith.index_cast %while3A_34 : i32 to index
      %get3A_77 = tpu.vector_load %arg15[%get3A_76] {strides = array<i32>} : memref<360xi32, #tpu.memory_space<vmem>>, vector<16xi32>,
      %get3A_78 = vector.shape_cast %get3A_77 : vector<16xi32> to vector<16xi32>
      %slice3A_79 = vector.extract_strided_slice %get3A_78 {offsets = [0], sizes = [1], strides = [1]} : vector<16xi32> to vector<1xi32>
      %squeeze3A_80 = vector.extract %slice3A_79[0] : i32 from vector<1xi32>
      %ge3A = arith.constant 0 : i32
      %ge3A_81 = arith.cmpi sge, %squeeze3A_80, %ge3A : i32
      %convert_element_type3A_82 = arith.extui %ge3A_81 : i1 to i32
      %cond3A_83 = arith.constant 0 : i32
      %cond3A_84 = arith.cmpi ne, %convert_element_type3A_82, %cond3A_83 : i32
      scf.if %cond3A_84 {
        %multiple_of3A = tpu.assume_multiple %squeeze3A_80, 128 : i32
        "tpu.region"() ({
          %run_scoped3A = tpu.sem_alloc : memref<!tpu.dma_semaphore, #tpu.memory_space<semaphore_mem>>
          %dma_start3A = tpu.memref_slice %arg10[%multiple_of3A] : memref<6289920xf32, #tpu.memory_space<hbm>> -> memref<11520xf32, #tpu.memory_space<hbm>>
          %dma_start3A_89 = tpu.memref_slice %arg10[%multiple_of3A] : memref<6289920xf32, #tpu.memory_space<hbm>> -> memref<11520xf32, #tpu.memory_space<hbm>>
          tpu.enqueue_dma source(%arg18 : memref<11520xf32, #tpu.memory_space<vmem>>) target(%dma_start3A_89 : memref<11520xf32, #tpu.memory_space<hbm>>) target_semaphore(%run_scoped3A : memref<!tpu.dma_semaphore, #tpu.memory_space<semaphore_mem>>)
          %dma_wait3A = tpu.memref_slice %arg10[%multiple_of3A] : memref<6289920xf32, #tpu.memory_space<hbm>> -> memref<11520xf32, #tpu.memory_space<hbm>>
          %dma_wait3A_90 = tpu.memref_slice %arg10[%multiple_of3A] : memref<6289920xf32, #tpu.memory_space<hbm>> -> memref<11520xf32, #tpu.memory_space<hbm>>
          tpu.wait_dma2 semaphore(%run_scoped3A : memref<!tpu.dma_semaphore, #tpu.memory_space<semaphore_mem>>) src(%arg18 : memref<11520xf32, #tpu.memory_space<vmem>>) dst(%dma_wait3A_90 : memref<11520xf32, #tpu.memory_space<hbm>>)
          tpu.yield
        }) : () -> ()
        %parallel_loop3A_86 = arith.constant 0 : i32
        %parallel_loop3A_87 = arith.constant 11520 : i32
        %parallel_loop3A_88 = arith.constant 16 : i32
        scf.for %parallel_loop3A_89 = %parallel_loop3A_86 to %parallel_loop3A_87 step %parallel_loop3A_88  : i32 {
          %parallel_loop3A_90 = arith.index_cast %parallel_loop3A_89 : i32 to index
          %parallel_loop3A_91 = tpu.vector_load %arg18[%parallel_loop3A_90] {strides = array<i32>} : memref<11520xf32, #tpu.memory_space<vmem>>, vector<16xf32>,
          %parallel_loop3A_92 = vector.shape_cast %parallel_loop3A_91 : vector<16xf32> to vector<16xf32>
          %parallel_loop3A_93 = vector.shape_cast %broadcast_in_dim3A_8 : vector<16xf32> to vector<16xf32>
          tpu.vector_store %arg18[%parallel_loop3A_90], %parallel_loop3A_93 {strides = array<i32>} : memref<11520xf32, #tpu.memory_space<vmem>>, vector<16xf32>,
        } {sc.loop_unroll_factor = 8 : i64, sc.parallel_access}
      } else {
      }
      %add3A_85 = arith.addi %while3A_35, %squeeze3A_40 : i32
      scf.yield %add3A_85 : i32
    }
    %while3A_24 = arith.constant 0 : i32
    %while3A_25 = arith.constant 0 : i32
    %while3A_26 = arith.subi %squeeze3A_7, %while3A_25 : i32
    %while3A_27 = arith.addi %while3A_25, %while3A_26 : i32
    %while3A_28 = arith.constant 1 : i32
    %while3A_29 = arith.divsi %while3A_26, %while3A_28 : i32
    %while3A_30 = arith.muli %while3A_29, %while3A_28 : i32
    %while3A_31 = arith.addi %while3A_25, %while3A_30 : i32
    %while3A_32 = arith.constant 1 : i32
    scf.for %while3A_34 = %while3A_25 to %while3A_31 step %while3A_32  : i32 {
      %get3A_35 = arith.index_cast %while3A_34 : i32 to index
      %get3A_36 = tpu.vector_load %arg17[%get3A_35] {strides = array<i32>} : memref<32xi32, #tpu.memory_space<vmem>>, vector<16xi32>,
      %get3A_37 = vector.shape_cast %get3A_36 : vector<16xi32> to vector<16xi32>
      %slice3A_38 = vector.extract_strided_slice %get3A_37 {offsets = [0], sizes = [1], strides = [1]} : vector<16xi32> to vector<1xi32>
      %squeeze3A_39 = vector.extract %slice3A_38[0] : i32 from vector<1xi32>
      %multiple_of3A = tpu.assume_multiple %squeeze3A_39, 128 : i32
      "tpu.region"() ({
        %run_scoped3A = tpu.sem_alloc : memref<!tpu.dma_semaphore, #tpu.memory_space<semaphore_mem>>
        %dma_start3A = tpu.memref_slice %arg10[%multiple_of3A] : memref<6289920xf32, #tpu.memory_space<hbm>> -> memref<11520xf32, #tpu.memory_space<hbm>>
        %dma_start3A_40 = tpu.memref_slice %arg10[%multiple_of3A] : memref<6289920xf32, #tpu.memory_space<hbm>> -> memref<11520xf32, #tpu.memory_space<hbm>>
        tpu.enqueue_dma source(%arg18 : memref<11520xf32, #tpu.memory_space<vmem>>) target(%dma_start3A_40 : memref<11520xf32, #tpu.memory_space<hbm>>) target_semaphore(%run_scoped3A : memref<!tpu.dma_semaphore, #tpu.memory_space<semaphore_mem>>)
        %dma_wait3A = tpu.memref_slice %arg10[%multiple_of3A] : memref<6289920xf32, #tpu.memory_space<hbm>> -> memref<11520xf32, #tpu.memory_space<hbm>>
        %dma_wait3A_41 = tpu.memref_slice %arg10[%multiple_of3A] : memref<6289920xf32, #tpu.memory_space<hbm>> -> memref<11520xf32, #tpu.memory_space<hbm>>
        tpu.wait_dma2 semaphore(%run_scoped3A : memref<!tpu.dma_semaphore, #tpu.memory_space<semaphore_mem>>) src(%arg18 : memref<11520xf32, #tpu.memory_space<vmem>>) dst(%dma_wait3A_41 : memref<11520xf32, #tpu.memory_space<hbm>>)
        tpu.yield
      }) : () -> ()
    }
    %while3A_33 = arith.constant 1 : i32
    scf.for %while3A_34 = %while3A_31 to %while3A_27 step %while3A_33  : i32 {
      %get3A_35 = arith.index_cast %while3A_34 : i32 to index
      %get3A_36 = tpu.vector_load %arg17[%get3A_35] {strides = array<i32>} : memref<32xi32, #tpu.memory_space<vmem>>, vector<16xi32>,
      %get3A_37 = vector.shape_cast %get3A_36 : vector<16xi32> to vector<16xi32>
      %slice3A_38 = vector.extract_strided_slice %get3A_37 {offsets = [0], sizes = [1], strides = [1]} : vector<16xi32> to vector<1xi32>
      %squeeze3A_39 = vector.extract %slice3A_38[0] : i32 from vector<1xi32>
      %multiple_of3A = tpu.assume_multiple %squeeze3A_39, 128 : i32
      "tpu.region"() ({
        %run_scoped3A = tpu.sem_alloc : memref<!tpu.dma_semaphore, #tpu.memory_space<semaphore_mem>>
        %dma_start3A = tpu.memref_slice %arg10[%multiple_of3A] : memref<6289920xf32, #tpu.memory_space<hbm>> -> memref<11520xf32, #tpu.memory_space<hbm>>
        %dma_start3A_40 = tpu.memref_slice %arg10[%multiple_of3A] : memref<6289920xf32, #tpu.memory_space<hbm>> -> memref<11520xf32, #tpu.memory_space<hbm>>
        tpu.enqueue_dma source(%arg18 : memref<11520xf32, #tpu.memory_space<vmem>>) target(%dma_start3A_40 : memref<11520xf32, #tpu.memory_space<hbm>>) target_semaphore(%run_scoped3A : memref<!tpu.dma_semaphore, #tpu.memory_space<semaphore_mem>>)
        %dma_wait3A = tpu.memref_slice %arg10[%multiple_of3A] : memref<6289920xf32, #tpu.memory_space<hbm>> -> memref<11520xf32, #tpu.memory_space<hbm>>
        %dma_wait3A_41 = tpu.memref_slice %arg10[%multiple_of3A] : memref<6289920xf32, #tpu.memory_space<hbm>> -> memref<11520xf32, #tpu.memory_space<hbm>>
        tpu.wait_dma2 semaphore(%run_scoped3A : memref<!tpu.dma_semaphore, #tpu.memory_space<semaphore_mem>>) src(%arg18 : memref<11520xf32, #tpu.memory_space<vmem>>) dst(%dma_wait3A_41 : memref<11520xf32, #tpu.memory_space<hbm>>)
        tpu.yield
      }) : () -> ()
    }
    return
  }
}

module attributes {stable_mosaic.version = 14 : i64} {
  func.func @_tc_body(%arg0: i32, %arg1: memref<2x7x3x180x64xf32, #tpu.memory_space<vmem>>, %arg2: memref<64x64x2xf32, #tpu.memory_space<vmem>>, %arg3: memref<64x1xf32, #tpu.memory_space<vmem>>, %arg4: memref<1x64x1260xf32, #tpu.memory_space<vmem>>) attributes {dimension_semantics = [#tpu.dimension_semantics<arbitrary>], iteration_bounds = array<i64: 13>, scalar_prefetch = 0 : i64, scratch_operands = 0 : i64, tpu.core_type = #tpu.core_type<tc>, window_params = [{transform_indices = @transform_0, window_bounds = array<i64: 2, 7, 3, 180, 64>}, {pipeline_mode = #tpu.pipeline_mode<synchronous>, transform_indices = @transform_1, window_bounds = array<i64: 64, 64, 2>}, {pipeline_mode = #tpu.pipeline_mode<synchronous>, transform_indices = @transform_2, window_bounds = array<i64: 64, 1>}, {transform_indices = @transform_3, window_bounds = array<i64: 1, 64, 1260>}]} {
    %get3A = arith.constant 0 : index
    %get3A_0 = arith.constant 0 : index
    %get3A_1 = arith.constant 0 : index
    %get3A_2 = arith.constant 0 : index
    %get3A_3 = arith.constant 0 : index
    %get3A_4 = vector.load %arg1[%get3A, %get3A_0, %get3A_1, %get3A_2, %get3A_3] : memref<2x7x3x180x64xf32, #tpu.memory_space<vmem>>, vector<2x7x3x180x64xf32>
    %reduce_sum3A = arith.constant dense<0.000000e+00> : vector<2x7x180x64xf32>
    %reduce_sum3A_5 = vector.multi_reduction <add>, %get3A_4, %reduce_sum3A [2] : vector<2x7x3x180x64xf32> to vector<2x7x180x64xf32>
    %slice3A = vector.extract_strided_slice %reduce_sum3A_5 {offsets = [0, 0, 0, 0], sizes = [1, 7, 180, 64], strides = [1, 1, 1, 1]} : vector<2x7x180x64xf32> to vector<1x7x180x64xf32>
    %squeeze3A = vector.shape_cast %slice3A : vector<1x7x180x64xf32> to vector<7x180x64xf32>
    %reshape3A = vector.shape_cast %squeeze3A : vector<7x180x64xf32> to vector<1260x64xf32>
    %get3A_6 = arith.constant 0 : index
    %get3A_7 = arith.constant 0 : index
    %get3A_8 = arith.constant 0 : index
    %get3A_9 = vector.load %arg2[%get3A_6, %get3A_7, %get3A_8] : memref<64x64x2xf32, #tpu.memory_space<vmem>>, vector<64x64x1xf32>
    %get3A_10 = vector.shape_cast %get3A_9 : vector<64x64x1xf32> to vector<64x64xf32>
    %dot_general3A = arith.constant dense<0.000000e+00> : vector<64x1260xf32>
    %dot_general3A_11 = tpu.matmul %get3A_10, %reshape3A, %dot_general3A {dimension_numbers = #tpu.dot_dimension_numbers<[1], [1], [0], [0], [0, 0, 1, 0], [], []>, transpose_lhs_hint = false} : vector<64x64xf32>, vector<1260x64xf32>, vector<64x1260xf32> -> vector<64x1260xf32>
    %slice3A_12 = vector.extract_strided_slice %reduce_sum3A_5 {offsets = [1, 0, 0, 0], sizes = [1, 7, 180, 64], strides = [1, 1, 1, 1]} : vector<2x7x180x64xf32> to vector<1x7x180x64xf32>
    %squeeze3A_13 = vector.shape_cast %slice3A_12 : vector<1x7x180x64xf32> to vector<7x180x64xf32>
    %reshape3A_14 = vector.shape_cast %squeeze3A_13 : vector<7x180x64xf32> to vector<1260x64xf32>
    %get3A_15 = arith.constant 0 : index
    %get3A_16 = arith.constant 0 : index
    %get3A_17 = arith.constant 1 : index
    %get3A_18 = vector.load %arg2[%get3A_15, %get3A_16, %get3A_17] : memref<64x64x2xf32, #tpu.memory_space<vmem>>, vector<64x64x1xf32>
    %get3A_19 = vector.shape_cast %get3A_18 : vector<64x64x1xf32> to vector<64x64xf32>
    %dot_general3A_20 = arith.constant dense<0.000000e+00> : vector<64x1260xf32>
    %dot_general3A_21 = tpu.matmul %get3A_19, %reshape3A_14, %dot_general3A_20 {dimension_numbers = #tpu.dot_dimension_numbers<[1], [1], [0], [0], [0, 0, 1, 0], [], []>, transpose_lhs_hint = false} : vector<64x64xf32>, vector<1260x64xf32>, vector<64x1260xf32> -> vector<64x1260xf32>
    %add3A = arith.addf %dot_general3A_11, %dot_general3A_21 : vector<64x1260xf32>
    %get3A_22 = arith.constant 0 : index
    %get3A_23 = arith.constant 0 : index
    %get3A_24 = vector.load %arg3[%get3A_22, %get3A_23] : memref<64x1xf32, #tpu.memory_space<vmem>>, vector<64x1xf32>
    %add3A_25 = vector.broadcast %get3A_24 : vector<64x1xf32> to vector<64x1260xf32>
    %add3A_26 = arith.addf %add3A, %add3A_25 : vector<64x1260xf32>
    %swap3A = arith.constant 0 : index
    %swap3A_27 = arith.constant 0 : index
    %swap3A_28 = arith.constant 0 : index
    %swap3A_29 = vector.load %arg4[%swap3A, %swap3A_27, %swap3A_28] : memref<1x64x1260xf32, #tpu.memory_space<vmem>>, vector<1x64x1260xf32>
    %swap3A_30 = vector.shape_cast %swap3A_29 : vector<1x64x1260xf32> to vector<64x1260xf32>
    %swap3A_31 = vector.shape_cast %add3A_26 : vector<64x1260xf32> to vector<1x64x1260xf32>
    tpu.vector_store %arg4[%swap3A, %swap3A_27, %swap3A_28], %swap3A_31 {strides = array<i32>} : memref<1x64x1260xf32, #tpu.memory_space<vmem>>, vector<1x64x1260xf32>,
    return
  }
  func.func @transform_0(%arg0: i32) -> (i32, i32, i32, i32, i32) {
    %c0_i32 = arith.constant 0 : i32
    %c0_i32_0 = arith.constant 0 : i32
    %c0_i32_1 = arith.constant 0 : i32
    %c0_i32_2 = arith.constant 0 : i32
    %c0_i32_3 = arith.constant 0 : i32
    return %c0_i32, %arg0, %c0_i32_0, %c0_i32_1, %c0_i32_2 : i32, i32, i32, i32, i32
  }
  func.func @transform_1(%arg0: i32) -> (i32, i32, i32) {
    %c0_i32 = arith.constant 0 : i32
    %c0_i32_0 = arith.constant 0 : i32
    %c0_i32_1 = arith.constant 0 : i32
    %c0_i32_2 = arith.constant 0 : i32
    return %c0_i32, %c0_i32_0, %c0_i32_1 : i32, i32, i32
  }
  func.func @transform_2(%arg0: i32) -> (i32, i32) {
    %c0_i32 = arith.constant 0 : i32
    %c0_i32_0 = arith.constant 0 : i32
    %c0_i32_1 = arith.constant 0 : i32
    return %c0_i32, %c0_i32_0 : i32, i32
  }
  func.func @transform_3(%arg0: i32) -> (i32, i32, i32) {
    %c0_i32 = arith.constant 0 : i32
    %c0_i32_0 = arith.constant 0 : i32
    %c0_i32_1 = arith.constant 0 : i32
    return %arg0, %c0_i32, %c0_i32_0 : i32, i32, i32
  }
}

</mosaic_0001>

<sc_bundles>
// kernel: gather_offload_async_start
scs
__scs_entry_jumppad:
0x0: {  	(pc) =	sbr.rel $0x88, $3  }
0x1: {  	(tag) =	ssettag $0x0;
	lr =	simm.s32 $0x1  }
0x2: {  	[smem:$0x3F9D] =	sst lr;
	_ =	strace $0xD0000000  }
0x3: {  	_ = 	snop  }
0x4: {  	_ = 	snop  }
0x5: {  	_ = 	snop  }
0x6: {  	_ = 	snop  }
0x7: {  	_ = 	snop  }
__scs_overlays_trampoline_lowered:
0x8: {  	[smem:$0x3FAC] =	sst s0  }
0x9: {  	[smem:$0x3FAD] =	sst s1  }
0xa: {  	[smem:$0x3FAE] =	sst s2  }
0xb: {  	[smem:$0x3FAF] =	sst s3  }
0xc: {  	[smem:$0x3FB0] =	sst s4  }
0xd: {  	[smem:$0x3FB1] =	sst s5  }
0xe: {  	[smem:$0x3FB2] =	sst s6  }
0xf: {  	[smem:$0x3FB3] =	sst s7  }
0x10: {  	[smem:$0x3FB4] =	sst s8  }
0x11: {  	[smem:$0x3FB5] =	sst s9;
	s0 =	simm.s32 @!p0 $0x0  }
0x12: {  	s1 =	sld [smem:$0x3F9B];
	s0 =	simm.s32 @p0 $0x1  }
0x13: {  	[smem:$0x3FB6] =	sst s0;
	s0 =	simm.s32 @!p1 $0x0  }
0x14: {  	s2 =	sld [smem:$0x3F9A];
	s0 =	simm.s32 @p1 $0x1  }
0x15: {  	[smem:$0x3FB7] =	sst s0;
	s0 =	simm.s32 @!p2 $0x0  }
0x16: {  	s3 =	sld [smem:$0x3FDB];
	s0 =	simm.s32 @p2 $0x1  }
0x17: {  	s4 =	simm.s32 $0x1BF5;
	[smem:$0x3FB9] =	sst s0  }
0x18: {  	s0 =	sld [smem:$0x3F9C];
	_ =	swait.ge [sflag:s4], $0x0  }
0x19: {  	s7 =	sld [smem:$0x3F9D]  }
0x1a: {  	s8 =	sadd.s32 $0xFFFFE003, lr  }
0x1b: {  	s9 =	sadd.s32 $0xFFFFFEF7, lr;
	s5 =	simm.s32 $0xFFFFFFFF;
	p2 =	slt.u32 s8, $0xFFFFF086  }
0x1c: {  	p1 =	slt.u32 s9, $0xF7A;
	s5 =	simm.s32 @!p2 $0x0  }
0x1d: {  	s5 =	simm.s32 @p1 $0x1;
	p0 =	seq.s32 s7, s2  }
0x1e: {  	s7 =	smul.u32 @!p0 $0xF7A, s2;
	p2 =	seq.s32 @!p0 s5, $0x0  }
0x1f: {  	s9 =	smul.u32 $0xF7A, s1;
	s8 =	simm.s32 @!p0 $0x1BF5;
	p2 =	por !p2, p0  }
0x20: {  	[sflag:s8] =	ssyncset.s32 @!p0 $0xFFFFF086;
	s6 =	sadd.s32 @!p0 s3, s7;
	s7 =	simm.s32 @!p0 $0x108  }
0x21: {  	s3 =	sadd.s32 s3, s9;
	s6 =	sadd.s32 @!p0 $0x88, s6;
	s7 =	simm.s32 @p2 $0x1082  }
0x22: {  	[simem:s7], [sflag:s8] =	dma.local @!p0 [hbm:s6], $0xF7A  }
0x23: {  	s9 =	sor.u32 $0xD0000000, s2;
	s6 =	simm.s32 $0x108;
	_ =	swait.ge @!p0 [sflag:s8], $0x0  }
0x24: {  	s3 =	sadd.s32 $0x88, s3;
	s6 =	simm.s32 @!p1 $0x1082;
	[sflag:s4] =	ssyncset.s32 $0xFFFFF086  }
0x25: {  	[simem:s6], [sflag:s4] =	dma.local [hbm:s3], $0xF7A  }
0x26: {  	[smem:$0x3F9D] =	sst s1;
	(tag) =	ssettag s2;
	_ =	strace s9  }
0x27: {  	s1 =	sld [smem:$0x3FAD]  }
0x28: {  	s2 =	sld [smem:$0x3FAE]  }
0x29: {  	s4 =	sld [smem:$0x3FB0]  }
0x2a: {  	p0 =	seq.s32 s5, $0x0;
	s5 =	sld [smem:$0x3FB1]  }
0x2b: {  	s6 =	sld [smem:$0x3FB2]  }
0x2c: {  	s7 =	sld [smem:$0x3FB3]  }
0x2d: {  	s3 =	simm.s32 $0x108;
	s8 =	sld [smem:$0x3FB4]  }
0x2e: {  	s3 =	simm.s32 @!p0 $0x1082;
	s9 =	sld [smem:$0x3FB5]  }
0x2f: {  	lr =	sadd.s32 s0, s3;
	s0 =	sld [smem:$0x3FAC]  }
0x30: {  	s3 =	sld [smem:$0x3FAF]  }
0x31: {  	[smem:$0x3FB8] =	sst s10  }
0x32: {  	s10 =	sld [smem:$0x3FB6];
	_ =	sdelay $0x3  }
0x33: {  	p0 =	seq.s32 s10, $0x1;
	s10 =	sld [smem:$0x3FB8];
	_ =	sdelay $0x3  }
0x34: {  	[smem:$0x3FB8] =	sst s10  }
0x35: {  	s10 =	sld [smem:$0x3FB7];
	_ =	sdelay $0x3  }
0x36: {  	p1 =	seq.s32 s10, $0x1;
	s10 =	sld [smem:$0x3FB8];
	_ =	sdelay $0x3  }
0x37: {  	[smem:$0x3FB8] =	sst s10  }
0x38: {  	s10 =	sld [smem:$0x3FB9]  }
0x39: {  	_ = 	snop;
	(pc) =	sbr.ind lr, $3  }
0x3a: {  	_ = 	snop  }
0x3b: {  	_ = 	snop  }
0x3c: {  	p2 =	seq.s32 s10, $0x1;
	s10 =	sld [smem:$0x3FB8]  }
0x3d: {  	_ =	shalt  }
0x3e: {  	_ =	shalt  }
0x3f: {  	_ =	shalt  }
0x40: {  	_ =	shalt  }
0x41: {  	_ =	shalt  }
0x42: {  	_ =	shalt  }
0x43: {  	_ =	shalt  }
0x44: {  	_ =	shalt  }
0x45: {  	_ =	shalt  }
0x46: {  	_ =	shalt  }
0x47: {  	_ =	shalt  }
0x48: {  	_ =	shalt  }
0x49: {  	_ =	shalt  }
0x4a: {  	_ =	shalt  }
0x4b: {  	_ =	shalt  }
0x4c: {  	_ =	shalt  }
0x4d: {  	_ =	shalt  }
0x4e: {  	_ =	shalt  }
0x4f: {  	_ =	shalt  }
0x50: {  	_ =	shalt  }
0x51: {  	_ =	shalt  }
0x52: {  	_ =	shalt  }
0x53: {  	_ =	shalt  }
0x54: {  	_ =	shalt  }
0x55: {  	_ =	shalt  }
0x56: {  	_ =	shalt  }
0x57: {  	_ =	shalt  }
0x58: {  	_ =	shalt  }
0x59: {  	_ =	shalt  }
0x5a: {  	_ =	shalt  }
0x5b: {  	_ =	shalt  }
0x5c: {  	_ =	shalt  }
0x5d: {  	_ =	shalt  }
0x5e: {  	_ =	shalt  }
0x5f: {  	_ =	shalt  }
0x60: {  	_ =	shalt  }
0x61: {  	_ =	shalt  }
0x62: {  	_ =	shalt  }
0x63: {  	_ =	shalt  }
0x64: {  	_ =	shalt  }
0x65: {  	_ =	shalt  }
0x66: {  	_ =	shalt  }
0x67: {  	_ =	shalt  }
0x68: {  	_ =	shalt  }
0x69: {  	_ =	shalt  }
0x6a: {  	_ =	shalt  }
0x6b: {  	_ =	shalt  }
0x6c: {  	_ =	shalt  }
0x6d: {  	_ =	shalt  }
0x6e: {  	_ =	shalt  }
0x6f: {  	_ =	shalt  }
0x70: {  	_ =	shalt  }
0x71: {  	_ =	shalt  }
0x72: {  	_ =	shalt  }
0x73: {  	_ =	shalt  }
0x74: {  	_ =	shalt  }
0x75: {  	_ =	shalt  }
0x76: {  	_ =	shalt  }
0x77: {  	_ =	shalt  }
0x78: {  	_ =	shalt  }
0x79: {  	_ =	shalt  }
0x7a: {  	_ =	shalt  }
0x7b: {  	_ =	shalt  }
0x7c: {  	_ =	shalt  }
0x7d: {  	_ =	shalt  }
0x7e: {  	_ =	shalt  }
0x7f: {  	_ =	shalt  }
0x80: {  	_ =	shalt  }
0x81: {  	_ =	shalt  }
0x82: {  	_ =	shalt  }
0x83: {  	_ =	shalt  }
0x84: {  	_ =	shalt  }
0x85: {  	_ =	shalt  }
0x86: {  	_ =	shalt  }
0x87: {  	_ =	shalt  }
.Lfunc_end0:
.L_simem_size_0:
called_computation_lowered:
.L_overlay_start_0:
0x88: {  	s2 =	sld [smem:$0x3FD9]  }
0x89: {  	s3 =	sld [smem:$0x3FFE];
	_ =	sdelay $0x1  }
0x8a: {  	s1 =	srdreg.scid  }
0x8b: {  	s0 =	sand.u32 $0x1, s1  }
0x8c: {  	s17 =	sshll.u32 s0, $0xA;
	s2 =	sadd.s32 s3, s2  }
0x8d: {  	s2 =	sadd.s32 s2, s17  }
0x8e: {  	[smem:$0x3FC4] =	sst s2  }
0x8f: {  	_ = 	snop  }
0x90: {  	s2 =	sld [smem:$0x3FD0];
	(tm) =	ssettm $0x1  }
0x91: {  	s18 =	sld [smem:$0x3FFB];
	_ =	sdelay $0x3  }
0x92: {  	_ =	strace s18  }
0x93: {  	s3 =	sld [smem:$0x3FFC];
	_ =	sdelay $0x3  }
0x94: {  	_ =	strace s3  }
0x95: {  	s3 =	sld [smem:$0x3FFD];
	_ =	sdelay $0x3  }
0x96: {  	_ =	strace s3  }
0x97: {  	_ =	strace $0x8FFFFFFF  }
0x98: {  	s19 =	sld [smem:$0x3FDB];
	_ =	sdelay $0x1  }
0x99: {  	s4 =	simm.s32 $_scs_section_size  }
0x9a: {  	s5 =	simm.s32 $_size__tile_overlayer_lowered;
	s6 =	simm.s32 $_tile_overlayer_lowered  }
0x9b: {  	s22 =	simm.s32 $0x1BFF;
	s21 =	sshll.u32 s6, $0x1;
	s3 =	sadd.s32 s4, s19  }
0x9c: {  	s7 =	simm.s32 $0x0;
	s20 =	sshll.u32 s5, $0x1;
	s5 =	sadd.s32 s21, s3  }
0x9d: {  	[timem:s7], [sflag:s22] =	dma.local [hbm:s5], s20  }
0x9e: {  	_ =	swait.ge [sflag:s22], s20  }
0x9f: {  	s4 =	ssub.s32 $0x0, s20;
	[sflag:s22] =	ssyncset.done $0x0  }
0xa0: {  	[sflag:s22] =	ssyncadd.s32 s4;
	_ =	sdelay $0x1  }
0xa1: {  	s23 =	simm.s32 $0x1B8B  }
0xa2: {  	_ =	swait.ge [sflag:s23], $0x1  }
0xa3: {  	[sflag:s23] =	ssyncset.done $0x0  }
0xa4: {  	s25 =	simm.s32 $0x1B8E;
	s24 =	sld [smem:$0x3FFE];
	[sflag:s23] =	ssyncadd.s32 $0xFFFFFFFF  }
0xa5: {  	s26 =	simm.s32 $execute0_lowered;
	[smem:$0x3FD2] =	sst s25  }
0xa6: {  	s5 =	sshll.u32 s26, $0x1;
	_ =	strace $0x80000046;
	[dreg:$0x1] =	wrdreg $0xFFFFFFFF  }
0xa7: {  	s28 =	simm.s32 $_size_execute0_lowered;
	s3 =	sadd.s32 s3, s5;
	[dreg:$0x0] =	wrdreg $0x0  }
0xa8: {  	s5 =	sshll.u32 s28, $0x1;
	[dreg:$0x2] =	wrdreg s3  }
0xa9: {  	[dreg:$0x3] =	wrdreg s5  }
0xaa: {  	[dreg:$0x4] =	wrdreg $0xC0  }
0xab: {  	_ =	task [dreg:s7], $0x5FFFF  }
0xac: {  	[dreg:$0x1] =	wrdreg $0xFFFFFFFF  }
0xad: {  	[dreg:$0x0] =	wrdreg $0x60  }
0xae: {  	[dreg:$0x2] =	wrdreg s2  }
0xaf: {  	[dreg:$0x3] =	wrdreg s24  }
0xb0: {  	[dreg:$0x4] =	wrdreg $0x9  }
0xb1: {  	_ =	task.clear_ibuf [dreg:s7], $0x5FFFF;
	_ =	strace $0x90000046  }
0xb2: {  	s29 =	simm.s32 $0x9;
	_ =	strace $0x80000048  }
0xb3: {  	_ =	swait.ge [sflag:s29], $0x1  }
0xb4: {  	[sflag:s29] =	ssyncadd.s32 $0xFFFFFFFF  }
0xb5: {  	_ =	strace $0x90000048  }
0xb6: {  	_ =	sfence  }
0xb7: {  	s30 =	sld [smem:$0x0];
	_ =	sdelay $0x2  }
0xb8: {  	s31 =	sshll.u32 s1, $0xD;
	s1 =	sshrl.u32 s1, $0x2  }
0xb9: {  	s3 =	sand.u32 $0x4000, s31;
	s1 =	sadd.s32 s1, s30  }
0xba: {  	s0 =	sor.u32 s3, s0;
	s1 =	sshll.u32 s1, $0x11  }
0xbb: {  	s0 =	sor.u32 s1, s0  }
0xbc: {  	s0 =	sadd.s32 $0x8F2B, s0  }
0xbd: {  	[sflag:s0] =	ssyncadd.remote.s32 $0x1  }
0xbe: {  	_ =	sfence.sel $0xFFFF  }
0xbf: {  	[dreg:$0x0] =	wrdreg $0xFFFFFFFF;
	(pc) =	sbr.abs _section_cstart, $3  }
0xc0: {  	[dreg:$0x1] =	wrdreg $0xFFFFFFFF  }
0xc1: {  	_ =	task.clear_ibuf [dreg:s7], $0x2FFFF;
	_ =	strace $0x9FFFFFFF  }
0xc2: {  	(tm) =	ssettm $0x7FFFFFFF  }
0xc3: {  	_ =	shalt  }
tec
execute0_lowered:
.L_overlay_start_1:
0x0: {  	(tag) =	ssettag $0x1  }
0x1: {  	s2 =	rddreg [dreg:$0x0];
	s0 =	stileid.u32  }
0x2: {  	s1 =	srdreg.scid;
	s8 =	rddreg [dreg:$0x1]  }
0x3: {  	s5 =	simm.s32 $0x1;
	s9 =	simm.s32 $0x1;
	s10 =	simm.s32 $0x3  }
0x4: {  	s13 =	simm.s32 $0x0;
	s3 =	sand.u32 $0x1, s1;
	s4 =	sshll.u32 s0, $0x1  }
0x5: {  	s12 =	simm.s32 $0x0;
	s1 =	rddreg [dreg:$0x2];
	s6 =	sor.u32 s4, s3  }
0x6: {  	_ =	strace $0x80000047;
	s3 =	sadd.s32 $0x1C00, s8;
	s4 =	smul.u32 $0x280, s6  }
0x7: {  	[sflag:s5] =	ssyncpa.u1 $0x0;
	p0 =	slt.u32 s6, $0x7;
	s6 =	simm.s32 $0x5000  }
.Ltmp0:
0x8: {  	s6 =	simm.s32 @!p0 $0x0;
	s7 =	ssub.s32 $0x5F00, s4;
	(pc) =	sbr.rel .LBB2_1-.Ltmp0, $4  }
0x9: {  	s9 =	simm.s32 @!p0 $0x0;
	p0 =	sne.s32 s7, s6;
	s7 =	simm.s32 $0x1  }
0xa: {  	s8 =	sadd.s32 $0x2800, s8;
	s6 =	simm.s32 $0x2;
	s7 =	simm.s32 @!p0 $0x0  }
0xb: {  	s11 =	smov.u32 s4;
	[sflag:s6] =	ssyncpa.u1 $0x0;
	s7 =	sadd.s32 s9, s7  }
0xc: {  	vm0 =	vmmov $0xffff;
	[sflag:s10] =	ssyncpa.u1 $0x0;
	s10 =	simm.s32 $0x0;
	s9 =	sadd.s32 $0x1, s7  }
.LBB2_4:
0xd: {  	v2 =	vnsel vm1, $0x0, v2  }
0xe: {  	vm1 =	vgt.s32 v0, $0x0;
	v2 =	vmin.u32 v2, $0x5C17  }
0xf: {  	v0 =	vnsel vm1, $0x0, v0  }
0x10: {  	v0 =	vmin.u32 v0, $0x5C17  }
0x11: {  	[tilespmem:s18], [sflag:$0x1] =	stream.indirect_vreg.gather [hbm4b:s2+s10], $0x1, v1, vm0, $0x4038;
	[tilespmem:$0xA00] =	vst v63  }
0x12: {  	(ifvalue) =	ssetifvalue $0x7FFFFFFF  }
0x13: {  	[tilespmem:s15], [sflag:$0x1] =	stream.indirect_vreg.gather [hbm4b:s2+s10], $0x1, v2, vm0, $0x4038;
	[tilespmem:$0xA00] =	vst v63  }
0x14: {  	s29 =	sadd.s32 $0x10, s15;
	(ifvalue) =	ssetifvalue $0x7FFFFFFF  }
0x15: {  	[tilespmem:s29], [sflag:$0x1] =	stream.indirect_vreg.gather [hbm4b:s2+s10], $0x1, v0, vm0, $0x4038;
	[tilespmem:$0xA00] =	vst v63  }
0x16: {  	_ =	swait.ge [sflag:s5], $0x280  }
0x17: {  	s30 =	sshrl.u32 s13, $0x3;
	[sflag:s5] =	ssyncset.done $0x0  }
0x18: {  	s31 =	sand.u32 $0x7, s13;
	s15 =	sadd.s32 s8, s30;
	[sflag:s5] =	ssyncadd.s32 $0xFFFFFD80  }
0x19: {  	[hbm4b:s15+s31] =	stream.linear.scatter [tilespmem:s14], [sflag:$0x3], $0x280, $0x38;
	[tilespmem:$0xA00] =	vst v63  }
.LBB2_5:
0x1a: {  	s15 =	sadd.s32 $0x5000, s11  }
0x1b: {  	p1 =	sgt.s32 s15, $0x5EFF  }
0x1c: {  	s15 =	smov.u32 @p1 s4;
	p1 =	sne.s32 s12, s9  }
.Ltmp1:
0x1d: {  	p0 =	slt.u32 s12, $0x2;
	(pc) =	sbr.rel @!p1 .LBB2_6-.Ltmp1, $4  }
0x1e: {  	s14 =	simm.s32 @!p0 $0x3  }
0x1f: {  	_ =	swait.ge @!p0 [sflag:s14], $0x280  }
0x20: {  	s16 =	sadd.s32 $0x1, s12;
	s13 =	smov.u32 s11;
	[sflag:s14] =	ssyncset.done @!p0 $0x0  }
0x21: {  	s12 =	smov.u32 s16;
	s11 =	smov.u32 s15;
	[sflag:s14] =	ssyncadd.s32 @!p0 $0xFFFFFD80  }
.LBB2_1:
0x22: {  	p0 =	sge.u32 s12, s7  }
0x23: {  	s14 =	sxor.u32 @!p0 $0x1, s12  }
0x24: {  	s14 =	smul.u32 @!p0 $0xA00, s14  }
0x25: {  	s31 =	sadd.s32 $0xFFFFFFFF, s12;
	s15 =	sshrl.u32 @!p0 s11, $0x3  }
0x26: {  	s16 =	sand.u32 @!p0 $0x7, s11;
	s15 =	sadd.s32 @!p0 s3, s15;
	s14 =	sshra.s32 @!p0 s14, $0x2  }
0x27: {  	[tilespmem:s14], [sflag:$0x2] =	stream.linear.gather @!p0 [hbm4b:s15+s16], $0x280, $0x38;
	[tilespmem:$0xA00] =	vst v63  }
0x28: {  	p0 =	sge.u32 s31, s7  }
.Ltmp2:
0x29: {  	_ = 	snop;
	(pc) =	sbr.rel @p0 .LBB2_5-.Ltmp2, $1  }
0x2a: {  	_ =	sdelay $0x3  }
0x2b: {  	s14 =	sand.u32 $0x1, s12  }
0x2c: {  	_ =	swait.ge [sflag:s6], $0x280;
	p0 =	seq.s32 s14, $0x1;
	s14 =	simm.s32 $0x280  }
0x2d: {  	[sflag:s6] =	ssyncset.done $0x0;
	s14 =	simm.s32 @!p0 $0x0  }
0x2e: {  	[sflag:s6] =	ssyncadd.s32 $0xFFFFFD80;
	(ifvalue) =	ssetifvalue $0x7FFFFFFF;
	v0 =	vld.msk [tilespmem:s14+$0x0 ss:$0x1], $0xffff;
	_ =	sdelay $0x4  }
0x2f: {  	s15 =	sadd.s32 $0x10, s14;
	vm1 =	vgt.s32 v0, $0x0  }
0x30: {  	v2 =	vld.msk [tilespmem:s15+$0x0 ss:$0x1], $0xffff;
	v1 =	vnsel vm1, $0x0, v0  }
0x31: {  	v1 =	vmin.u32 v1, $0x5C17;
	_ =	sdelay $0x2  }
0x32: {  	s17 =	simm.s32 $0x20;
	s14 =	sor.u32 $0x500, s14;
	s16 =	sadd.s32 $0x10, s15  }
0x33: {  	s15 =	sadd.s32 $0x10, s14;
	s18 =	smov.u32 s14;
	v0 =	vld.msk [tilespmem:s16+$0x0 ss:$0x1], $0xffff;
	vm1 =	vgt.s32 v2, $0x0;
	(ifvalue) =	ssetifvalue $0x7FFFFFFF  }
.LBB2_3:
0x34: {  	[tilespmem:s18], [sflag:$0x1] =	stream.indirect_vreg.gather [hbm4b:s2+s10], $0x1, v1, vm0, $0x4038;
	[tilespmem:$0xA00] =	vst v63  }
0x35: {  	s17 =	sadd.s32 $0x10, s17  }
0x36: {  	v2 =	vnsel vm1, $0x0, v2;
	p0 =	slt.u32 s17, $0x270  }
.Ltmp3:
0x37: {  	s18 =	smov.u32 s15;
	v1 =	vmin.u32 v2, $0x5C17;
	(pc) =	sbr.rel @p0 .LBB2_3-.Ltmp3, $3  }
0x38: {  	_ =	sdelay $0x1  }
0x39: {  	s16 =	sadd.s32 $0x10, s16  }
0x3a: {  	vm1 =	vgt.s32 v0, $0x0;
	s15 =	sadd.s32 $0x10, s15;
	v2 =	vmov v0;
	(ifvalue) =	ssetifvalue $0x7FFFFFFF;
	v0 =	vld.msk [tilespmem:s16+$0x0 ss:$0x1], $0xffff  }
.Ltmp4:
0x3b: {  	_ = 	snop;
	(pc) =	sbr.rel .LBB2_4-.Ltmp4, $1  }
0x3c: {  	_ =	sdelay $0x3  }
.LBB2_6:
0x3d: {  	_ =	sfence.sel $0x180000  }
0x3e: {  	s2 =	simm.s32 $0x2;
	[bflag:$0x0] =	sbarrier.arrive $0xFFFF  }
0x3f: {  	s30 =	simm.s32 $0x3;
	[sflag:s2] =	ssyncpa.u1 $0x1  }
0x40: {  	s31 =	simm.s32 $0x1;
	[sflag:s30] =	ssyncpa.u1 $0x1  }
0x41: {  	[sflag:s31] =	ssyncpa.u1 $0x1  }
0x42: {  	p0 =	sne.s32 s0, $0x0;
	_ =	strace $0x90000047  }
0x43: {  	s0 =	sadd.s32 @!p0 $0x100000, s1;
	[bflag:$0x2] =	sbarrier.arrive $0xFFFF  }
0x44: {  	[sflag:s0] =	ssyncadd.tile.s32 @!p0 $0x1;
	_ =	shalt  }
.Lfunc_end2:
_tile_overlayer_lowered:
.L_overlay_start_2:
0x45: {  	(tag) =	ssettag $0x2  }
0x46: {  	s0 =	rddreg [dreg:$0x0];
	s2 =	stileid.u32  }
0x47: {  	s1 =	rddreg [dreg:$0x1];
	p0 =	sne.s32 s2, $0x0  }
0x48: {  	s3 =	rddreg [dreg:$0x2];
	[bflag:$0x3] =	sbarrier.arrive $0xFFFF;
	s2 =	simm.s32 @!p0 $0x1C01  }
0x49: {  	[timem:s3], [sflag:s2] =	dma.local @!p0 [hbm:s0], s1  }
0x4a: {  	s0 =	simm.s32 @!p0 $0x1  }
0x4b: {  	_ =	swait.ge @!p0 [sflag:s0], s1  }
0x4c: {  	s1 =	ssub.s32 @!p0 $0x0, s1;
	[sflag:s0] =	ssyncset.done @!p0 $0x0  }
0x4d: {  	[sflag:s0] =	ssyncadd.s32 @!p0 s1  }
0x4e: {  	[bflag:$0x3] =	sbarrier.arrive $0xFFFF  }
0x4f: {  	_ =	shalt  }

// kernel: kernel.4.cloned.1.call-start
scs
__scs_entry_jumppad:
0x0: {  	(pc) =	sbr.rel $0x88, $3  }
0x1: {  	(tag) =	ssettag $0x0;
	lr =	simm.s32 $0x1  }
0x2: {  	[smem:$0x3F9D] =	sst lr;
	_ =	strace $0xD0000000  }
0x3: {  	_ = 	snop  }
0x4: {  	_ = 	snop  }
0x5: {  	_ = 	snop  }
0x6: {  	_ = 	snop  }
0x7: {  	_ = 	snop  }
__scs_overlays_trampoline_lowered:
0x8: {  	[smem:$0x3FAC] =	sst s0  }
0x9: {  	[smem:$0x3FAD] =	sst s1  }
0xa: {  	[smem:$0x3FAE] =	sst s2  }
0xb: {  	[smem:$0x3FAF] =	sst s3  }
0xc: {  	[smem:$0x3FB0] =	sst s4  }
0xd: {  	[smem:$0x3FB1] =	sst s5  }
0xe: {  	[smem:$0x3FB2] =	sst s6  }
0xf: {  	[smem:$0x3FB3] =	sst s7  }
0x10: {  	[smem:$0x3FB4] =	sst s8  }
0x11: {  	[smem:$0x3FB5] =	sst s9;
	s0 =	simm.s32 @!p0 $0x0  }
0x12: {  	s1 =	sld [smem:$0x3F9B];
	s0 =	simm.s32 @p0 $0x1  }
0x13: {  	[smem:$0x3FB6] =	sst s0;
	s0 =	simm.s32 @!p1 $0x0  }
0x14: {  	s2 =	sld [smem:$0x3F9A];
	s0 =	simm.s32 @p1 $0x1  }
0x15: {  	[smem:$0x3FB7] =	sst s0;
	s0 =	simm.s32 @!p2 $0x0  }
0x16: {  	s3 =	sld [smem:$0x3FDB];
	s0 =	simm.s32 @p2 $0x1  }
0x17: {  	s4 =	simm.s32 $0x1BF5;
	[smem:$0x3FB9] =	sst s0  }
0x18: {  	s0 =	sld [smem:$0x3F9C];
	_ =	swait.ge [sflag:s4], $0x0  }
0x19: {  	s7 =	sld [smem:$0x3F9D]  }
0x1a: {  	s8 =	sadd.s32 $0xFFFFE003, lr  }
0x1b: {  	s9 =	sadd.s32 $0xFFFFFEF7, lr;
	s5 =	simm.s32 $0xFFFFFFFF;
	p2 =	slt.u32 s8, $0xFFFFF086  }
0x1c: {  	p1 =	slt.u32 s9, $0xF7A;
	s5 =	simm.s32 @!p2 $0x0  }
0x1d: {  	s5 =	simm.s32 @p1 $0x1;
	p0 =	seq.s32 s7, s2  }
0x1e: {  	s7 =	smul.u32 @!p0 $0xF7A, s2;
	p2 =	seq.s32 @!p0 s5, $0x0  }
0x1f: {  	s9 =	smul.u32 $0xF7A, s1;
	s8 =	simm.s32 @!p0 $0x1BF5;
	p2 =	por !p2, p0  }
0x20: {  	[sflag:s8] =	ssyncset.s32 @!p0 $0xFFFFF086;
	s6 =	sadd.s32 @!p0 s3, s7;
	s7 =	simm.s32 @!p0 $0x108  }
0x21: {  	s3 =	sadd.s32 s3, s9;
	s6 =	sadd.s32 @!p0 $0x88, s6;
	s7 =	simm.s32 @p2 $0x1082  }
0x22: {  	[simem:s7], [sflag:s8] =	dma.local @!p0 [hbm:s6], $0xF7A  }
0x23: {  	s9 =	sor.u32 $0xD0000000, s2;
	s6 =	simm.s32 $0x108;
	_ =	swait.ge @!p0 [sflag:s8], $0x0  }
0x24: {  	s3 =	sadd.s32 $0x88, s3;
	s6 =	simm.s32 @!p1 $0x1082;
	[sflag:s4] =	ssyncset.s32 $0xFFFFF086  }
0x25: {  	[simem:s6], [sflag:s4] =	dma.local [hbm:s3], $0xF7A  }
0x26: {  	[smem:$0x3F9D] =	sst s1;
	(tag) =	ssettag s2;
	_ =	strace s9  }
0x27: {  	s1 =	sld [smem:$0x3FAD]  }
0x28: {  	s2 =	sld [smem:$0x3FAE]  }
0x29: {  	s4 =	sld [smem:$0x3FB0]  }
0x2a: {  	p0 =	seq.s32 s5, $0x0;
	s5 =	sld [smem:$0x3FB1]  }
0x2b: {  	s6 =	sld [smem:$0x3FB2]  }
0x2c: {  	s7 =	sld [smem:$0x3FB3]  }
0x2d: {  	s3 =	simm.s32 $0x108;
	s8 =	sld [smem:$0x3FB4]  }
0x2e: {  	s3 =	simm.s32 @!p0 $0x1082;
	s9 =	sld [smem:$0x3FB5]  }
0x2f: {  	lr =	sadd.s32 s0, s3;
	s0 =	sld [smem:$0x3FAC]  }
0x30: {  	s3 =	sld [smem:$0x3FAF]  }
0x31: {  	[smem:$0x3FB8] =	sst s10  }
0x32: {  	s10 =	sld [smem:$0x3FB6];
	_ =	sdelay $0x3  }
0x33: {  	p0 =	seq.s32 s10, $0x1;
	s10 =	sld [smem:$0x3FB8];
	_ =	sdelay $0x3  }
0x34: {  	[smem:$0x3FB8] =	sst s10  }
0x35: {  	s10 =	sld [smem:$0x3FB7];
	_ =	sdelay $0x3  }
0x36: {  	p1 =	seq.s32 s10, $0x1;
	s10 =	sld [smem:$0x3FB8];
	_ =	sdelay $0x3  }
0x37: {  	[smem:$0x3FB8] =	sst s10  }
0x38: {  	s10 =	sld [smem:$0x3FB9]  }
0x39: {  	_ = 	snop;
	(pc) =	sbr.ind lr, $3  }
0x3a: {  	_ = 	snop  }
0x3b: {  	_ = 	snop  }
0x3c: {  	p2 =	seq.s32 s10, $0x1;
	s10 =	sld [smem:$0x3FB8]  }
0x3d: {  	_ =	shalt  }
0x3e: {  	_ =	shalt  }
0x3f: {  	_ =	shalt  }
0x40: {  	_ =	shalt  }
0x41: {  	_ =	shalt  }
0x42: {  	_ =	shalt  }
0x43: {  	_ =	shalt  }
0x44: {  	_ =	shalt  }
0x45: {  	_ =	shalt  }
0x46: {  	_ =	shalt  }
0x47: {  	_ =	shalt  }
0x48: {  	_ =	shalt  }
0x49: {  	_ =	shalt  }
0x4a: {  	_ =	shalt  }
0x4b: {  	_ =	shalt  }
0x4c: {  	_ =	shalt  }
0x4d: {  	_ =	shalt  }
0x4e: {  	_ =	shalt  }
0x4f: {  	_ =	shalt  }
0x50: {  	_ =	shalt  }
0x51: {  	_ =	shalt  }
0x52: {  	_ =	shalt  }
0x53: {  	_ =	shalt  }
0x54: {  	_ =	shalt  }
0x55: {  	_ =	shalt  }
0x56: {  	_ =	shalt  }
0x57: {  	_ =	shalt  }
0x58: {  	_ =	shalt  }
0x59: {  	_ =	shalt  }
0x5a: {  	_ =	shalt  }
0x5b: {  	_ =	shalt  }
0x5c: {  	_ =	shalt  }
0x5d: {  	_ =	shalt  }
0x5e: {  	_ =	shalt  }
0x5f: {  	_ =	shalt  }
0x60: {  	_ =	shalt  }
0x61: {  	_ =	shalt  }
0x62: {  	_ =	shalt  }
0x63: {  	_ =	shalt  }
0x64: {  	_ =	shalt  }
0x65: {  	_ =	shalt  }
0x66: {  	_ =	shalt  }
0x67: {  	_ =	shalt  }
0x68: {  	_ =	shalt  }
0x69: {  	_ =	shalt  }
0x6a: {  	_ =	shalt  }
0x6b: {  	_ =	shalt  }
0x6c: {  	_ =	shalt  }
0x6d: {  	_ =	shalt  }
0x6e: {  	_ =	shalt  }
0x6f: {  	_ =	shalt  }
0x70: {  	_ =	shalt  }
0x71: {  	_ =	shalt  }
0x72: {  	_ =	shalt  }
0x73: {  	_ =	shalt  }
0x74: {  	_ =	shalt  }
0x75: {  	_ =	shalt  }
0x76: {  	_ =	shalt  }
0x77: {  	_ =	shalt  }
0x78: {  	_ =	shalt  }
0x79: {  	_ =	shalt  }
0x7a: {  	_ =	shalt  }
0x7b: {  	_ =	shalt  }
0x7c: {  	_ =	shalt  }
0x7d: {  	_ =	shalt  }
0x7e: {  	_ =	shalt  }
0x7f: {  	_ =	shalt  }
0x80: {  	_ =	shalt  }
0x81: {  	_ =	shalt  }
0x82: {  	_ =	shalt  }
0x83: {  	_ =	shalt  }
0x84: {  	_ =	shalt  }
0x85: {  	_ =	shalt  }
0x86: {  	_ =	shalt  }
0x87: {  	_ =	shalt  }
.Lfunc_end0:
.L_simem_size_0:
called_computation.1_lowered:
.L_overlay_start_0:
0x88: {  	s2 =	sld [smem:$0x3FD9]  }
0x89: {  	s3 =	sld [smem:$0x3FFE];
	_ =	sdelay $0x1  }
0x8a: {  	s1 =	srdreg.scid  }
0x8b: {  	s0 =	sand.u32 $0x1, s1  }
0x8c: {  	s17 =	sshll.u32 s0, $0xA;
	s2 =	sadd.s32 s3, s2  }
0x8d: {  	s2 =	sadd.s32 s2, s17  }
0x8e: {  	[smem:$0x3FC4] =	sst s2  }
0x8f: {  	_ = 	snop  }
0x90: {  	s2 =	sld [smem:$0x3FD0];
	(tm) =	ssettm $0x1  }
0x91: {  	s18 =	sld [smem:$0x3FFB];
	_ =	sdelay $0x3  }
0x92: {  	_ =	strace s18  }
0x93: {  	s3 =	sld [smem:$0x3FFC];
	_ =	sdelay $0x3  }
0x94: {  	_ =	strace s3  }
0x95: {  	s3 =	sld [smem:$0x3FFD];
	_ =	sdelay $0x3  }
0x96: {  	_ =	strace s3  }
0x97: {  	_ =	strace $0x8FFFFFFF  }
0x98: {  	s19 =	sld [smem:$0x3FDB];
	_ =	sdelay $0x1  }
0x99: {  	s4 =	simm.s32 $_scs_section_size  }
0x9a: {  	s5 =	simm.s32 $_size__tile_overlayer_lowered;
	s6 =	simm.s32 $_tile_overlayer_lowered  }
0x9b: {  	s22 =	simm.s32 $0x1BFF;
	s21 =	sshll.u32 s6, $0x1;
	s3 =	sadd.s32 s4, s19  }
0x9c: {  	s7 =	simm.s32 $0x0;
	s20 =	sshll.u32 s5, $0x1;
	s5 =	sadd.s32 s21, s3  }
0x9d: {  	[timem:s7], [sflag:s22] =	dma.local [hbm:s5], s20  }
0x9e: {  	_ =	swait.ge [sflag:s22], s20  }
0x9f: {  	s4 =	ssub.s32 $0x0, s20;
	[sflag:s22] =	ssyncset.done $0x0  }
0xa0: {  	[sflag:s22] =	ssyncadd.s32 s4;
	_ =	sdelay $0x1  }
0xa1: {  	s23 =	simm.s32 $0x1B8B  }
0xa2: {  	_ =	swait.ge [sflag:s23], $0x1  }
0xa3: {  	[sflag:s23] =	ssyncset.done $0x0  }
0xa4: {  	s25 =	simm.s32 $0x1B8E;
	s24 =	sld [smem:$0x3FFE];
	[sflag:s23] =	ssyncadd.s32 $0xFFFFFFFF  }
0xa5: {  	s26 =	simm.s32 $execute0_lowered;
	[smem:$0x3FD2] =	sst s25  }
0xa6: {  	s5 =	sshll.u32 s26, $0x1;
	_ =	strace $0x80000049;
	[dreg:$0x1] =	wrdreg $0xFFFFFFFF  }
0xa7: {  	s28 =	simm.s32 $_size_execute0_lowered;
	s3 =	sadd.s32 s3, s5;
	[dreg:$0x0] =	wrdreg $0x0  }
0xa8: {  	s5 =	sshll.u32 s28, $0x1;
	[dreg:$0x2] =	wrdreg s3  }
0xa9: {  	[dreg:$0x3] =	wrdreg s5  }
0xaa: {  	[dreg:$0x4] =	wrdreg $0xC0  }
0xab: {  	_ =	task [dreg:s7], $0x5FFFF  }
0xac: {  	[dreg:$0x1] =	wrdreg $0xFFFFFFFF  }
0xad: {  	[dreg:$0x0] =	wrdreg $0x60  }
0xae: {  	[dreg:$0x2] =	wrdreg s24  }
0xaf: {  	[dreg:$0x3] =	wrdreg s2  }
0xb0: {  	[dreg:$0x4] =	wrdreg $0x9  }
0xb1: {  	_ =	task.clear_ibuf [dreg:s7], $0x5FFFF;
	_ =	strace $0x90000049  }
0xb2: {  	s29 =	simm.s32 $0x9;
	_ =	strace $0x8000004B  }
0xb3: {  	_ =	swait.ge [sflag:s29], $0x1  }
0xb4: {  	[sflag:s29] =	ssyncadd.s32 $0xFFFFFFFF  }
0xb5: {  	_ =	strace $0x9000004B  }
0xb6: {  	_ =	sfence  }
0xb7: {  	s30 =	sld [smem:$0x0];
	_ =	sdelay $0x2  }
0xb8: {  	s31 =	sshll.u32 s1, $0xD;
	s1 =	sshrl.u32 s1, $0x2  }
0xb9: {  	s3 =	sand.u32 $0x4000, s31;
	s1 =	sadd.s32 s1, s30  }
0xba: {  	s0 =	sor.u32 s3, s0;
	s1 =	sshll.u32 s1, $0x11  }
0xbb: {  	s0 =	sor.u32 s1, s0  }
0xbc: {  	s0 =	sadd.s32 $0x8F2B, s0  }
0xbd: {  	[sflag:s0] =	ssyncadd.remote.s32 $0x1  }
0xbe: {  	_ =	sfence.sel $0xFFFF  }
0xbf: {  	[dreg:$0x0] =	wrdreg $0xFFFFFFFF;
	(pc) =	sbr.abs _section_cstart, $3  }
0xc0: {  	[dreg:$0x1] =	wrdreg $0xFFFFFFFF  }
0xc1: {  	_ =	task.clear_ibuf [dreg:s7], $0x2FFFF;
	_ =	strace $0x9FFFFFFF  }
0xc2: {  	(tm) =	ssettm $0x7FFFFFFF  }
0xc3: {  	_ =	shalt  }
tec
execute0_lowered:
.L_overlay_start_1:
0x0: {  	(tag) =	ssettag $0x1  }
0x1: {  	s0 =	rddreg [dreg:$0x0]  }
0x2: {  	s1 =	rddreg [dreg:$0x1]  }
0x3: {  	s2 =	simm.s32 $0x0;
	s3 =	srdreg.scid;
	s6 =	stileid.u32  }
0x4: {  	s13 =	simm.s32 $0x80;
	s14 =	simm.s32 $0x400;
	s15 =	simm.s32 $0x3  }
0x5: {  	s21 =	simm.s32 $0xB00;
	s23 =	simm.s32 $0x2;
	s24 =	simm.s32 $0xB80  }
0x6: {  	s4 =	sand.u32 $0x1, s3;
	s5 =	sshrl.u32 s6, $0x2;
	s25 =	sshll.u32 s6, $0x8  }
0x7: {  	[smem:$0x7FF] =	sst s2;
	s26 =	sshll.u32 s4, $0x7;
	s7 =	smul.u32 $0x1800, s5  }
0x8: {  	s3 =	sand.u32 $0x300, s25;
	_ =	strace $0x8000004A;
	s8 =	smul.u32 $0xC00, s5  }
0x9: {  	s5 =	sshll.u32 s5, $0xA;
	s29 =	ssub.s32 $0x2, s4;
	s4 =	sadd.s32 $0x102800, s0  }
0xa: {  	s25 =	simm.s32 $0x1;
	s6 =	sor.u32 s26, s3;
	s3 =	sadd.s32 $0x3400, s0  }
0xb: {  	s30 =	sshrl.u32 s29, $0x1;
	s26 =	simm.s32 $0x0;
	s7 =	sor.u32 s7, s6  }
0xc: {  	s8 =	sor.u32 s8, s6;
	s5 =	sor.u32 s5, s6;
	s31 =	ssub.s32 s29, s30  }
.Ltmp0:
0xd: {  	s9 =	sshrl.u32 s7, $0x3;
	s28 =	sshrl.u32 s8, $0x3;
	(pc) =	sbr.rel .LBB2_1-.Ltmp0, $4  }
0xe: {  	s5 =	sshrl.u32 s5, $0x3;
	s12 =	smax.u32 s31, $0x1;
	s7 =	sadd.s32 s9, s0  }
0xf: {  	s10 =	sadd.s32 s28, s0;
	s11 =	sadd.s32 s5, s0;
	s5 =	sadd.s32 $0x1C00, s7  }
0x10: {  	s6 =	sadd.s32 $0x2800, s10;
	s7 =	sadd.s32 $0x2E00, s10;
	s8 =	sadd.s32 $0x101E00, s10  }
0x11: {  	v0 =	vimm.f32 $0.0e+00;
	s9 =	sadd.s32 s1, s9;
	s10 =	sadd.s32 $0x102400, s11;
	s11 =	sadd.s32 $0x102600, s11  }
.LBB2_23:
0x12: {  	[sflag:s15] =	ssyncadd.s32 $0xFFFFD300  }
.LBB2_24:
0x13: {  	s26 =	sadd.s32 $0x1, s26  }
0x14: {  	p0 =	sne.s32 s26, s12  }
.Ltmp1:
0x15: {  	_ = 	snop;
	(pc) =	sbr.rel @!p0 .LBB2_25-.Ltmp1, $1  }
0x16: {  	_ =	sdelay $0x3  }
.LBB2_1:
0x17: {  	[tilespmem:s2], [sflag:$0x3] =	stream.strided.gather [hbm4b:s9+s13], $0x300, s14, s13, $0x38;
	[tilespmem:$0xEC80] =	vst v63  }
0x18: {  	_ =	swait.ge [sflag:s15], $0x300  }
0x19: {  	[sflag:s15] =	ssyncset.done $0x0  }
0x1a: {  	s0 =	simm.s32 $0x300;
	[sflag:s15] =	ssyncadd.s32 $0xFFFFFD00  }
0x1b: {  	[tilespmem:s0], [sflag:$0x3] =	stream.strided.gather [hbm4b:s5+s13], $0x300, s14, s13, $0x38;
	[tilespmem:$0xEC80] =	vst v63  }
0x1c: {  	_ =	swait.ge [sflag:s15], $0x300  }
0x1d: {  	[sflag:s15] =	ssyncset.done $0x0  }
0x1e: {  	s28 =	simm.s32 $0x600;
	[sflag:s15] =	ssyncadd.s32 $0xFFFFFD00  }
0x1f: {  	[tilespmem:s28], [sflag:$0x3] =	stream.strided.gather [hbm4b:s6+s13], $0x180, s14, s13, $0x38;
	[tilespmem:$0xEC80] =	vst v63  }
0x20: {  	_ =	swait.ge [sflag:s15], $0x180  }
0x21: {  	[sflag:s15] =	ssyncset.done $0x0  }
0x22: {  	s29 =	simm.s32 $0x780;
	[sflag:s15] =	ssyncadd.s32 $0xFFFFFE80  }
0x23: {  	[tilespmem:s29], [sflag:$0x3] =	stream.strided.gather [hbm4b:s7+s13], $0x180, s14, s13, $0x38;
	[tilespmem:$0xEC80] =	vst v63  }
0x24: {  	_ =	swait.ge [sflag:s15], $0x180  }
0x25: {  	[sflag:s15] =	ssyncset.done $0x0  }
0x26: {  	s30 =	simm.s32 $0x900;
	[sflag:s15] =	ssyncadd.s32 $0xFFFFFE80  }
0x27: {  	[tilespmem:s30], [sflag:$0x3] =	stream.strided.gather [hbm4b:s8+s13], $0x180, s14, s13, $0x38;
	[tilespmem:$0xEC80] =	vst v63  }
0x28: {  	_ =	swait.ge [sflag:s15], $0x180  }
0x29: {  	[sflag:s15] =	ssyncset.done $0x0  }
0x2a: {  	s31 =	simm.s32 $0xA80;
	[sflag:s15] =	ssyncadd.s32 $0xFFFFFE80  }
0x2b: {  	[tilespmem:s31], [sflag:$0x3] =	stream.linear.gather [hbm4b:s10+s2], $0x80, $0x38;
	[tilespmem:$0xEC80] =	vst v63  }
0x2c: {  	_ =	swait.ge [sflag:s15], $0x80  }
0x2d: {  	[sflag:s15] =	ssyncset.done $0x0  }
0x2e: {  	[sflag:s15] =	ssyncadd.s32 $0xFFFFFF80  }
0x2f: {  	[tilespmem:s21], [sflag:$0x3] =	stream.linear.gather [hbm4b:s11+s2], $0x80, $0x38;
	[tilespmem:$0xEC80] =	vst v63  }
0x30: {  	_ =	swait.ge [sflag:s15], $0x80  }
0x31: {  	[sflag:s15] =	ssyncset.done $0x0  }
0x32: {  	[sflag:s15] =	ssyncadd.s32 $0xFFFFFF80  }
0x33: {  	s0 =	simm.s32 $0xBC0;
	v1 =	vld [tilespmem:$0xA80]  }
0x34: {  	v2 =	vld [tilespmem:$0xA81];
	[tilespmem:s0+$0xFFFFFFC0] =	vst v0  }
0x35: {  	[tilespmem:s0+$0x30] =	vst v0  }
0x36: {  	[tilespmem:s0+$0x20] =	vst v0  }
0x37: {  	[tilespmem:s0+$0x10] =	vst v0  }
0x38: {  	[tilespmem:s0+$0x0] =	vst v0  }
0x39: {  	[tilespmem:s0+$0xFFFFFFF0] =	vst v0  }
0x3a: {  	s1 =	simm.s32 $0x0;
	[tilespmem:s0+$0xFFFFFFE0] =	vst v0  }
.LBB2_2:
0x3b: {  	s1 =	sadd.s32 $0x80, s1;
	[tilespmem:s0+$0xFFFFFFD0] =	vst v0;
	s0 =	sadd.s32 $0x80, s0  }
0x3c: {  	[tilespmem:s0+$0xFFFFFFC0] =	vst v0;
	p0 =	slt.u32 s1, $0x2C80  }
0x3d: {  	[tilespmem:s0+$0x30] =	vst v0  }
.Ltmp2:
0x3e: {  	[tilespmem:s0+$0x20] =	vst v0;
	(pc) =	sbr.rel @p0 .LBB2_2-.Ltmp2, $4  }
0x3f: {  	[tilespmem:s0+$0x10] =	vst v0  }
0x40: {  	[tilespmem:s0+$0x0] =	vst v0  }
0x41: {  	[tilespmem:s0+$0xFFFFFFF0] =	vst v0  }
0x42: {  	[tilespmem:s0+$0xFFFFFFE0] =	vst v0  }
0x43: {  	(v2sf) =	vpush v1, $0x0;
	_ =	sdelay $0x5  }
0x44: {  	(v2sf) =	vpush v2, $0x0;
	_ =	sdelay $0x8  }
0x45: {  	s29 =	spop (v2sf)  }
0x46: {  	p0 =	slt.s32 s29, $0x1  }
.Ltmp3:
0x47: {  	_ = 	snop;
	(pc) =	sbr.rel @p0 .LBB2_20-.Ltmp3, $2  }
0x48: {  	_ =	sdelay $0x2  }
0x49: {  	[tilespmem:s0+$0xFFFFFFD0] =	vst v0;
	s28 =	spop (v2sf)  }
0x4a: {  	v1 =	vld [tilespmem:$0x600];
	_ =	sdelay $0x4  }
0x4b: {  	(v2sf) =	vpush v1, $0x0;
	_ =	sdelay $0xe  }
.Ltmp4:
0x4c: {  	s0 =	spop (v2sf);
	(pc) =	sbr.rel .LBB2_5-.Ltmp4, $4  }
0x4d: {  	s0 =	sshrl.u32 s0, $0x3  }
0x4e: {  	s30 =	simm.s32 $0x0;
	s0 =	sand.u32 $0x1FFFFFF0, s0  }
0x4f: {  	s1 =	simm.s32 $0x3880;
	s31 =	simm.s32 $0x0;
	s0 =	sadd.s32 s3, s0  }
0x50: {  	[tilespmem:s1], [sflag:$0x1] =	stream.linear.gather [hbm4b:s0+s30], $0x5A00, $0x38;
	[tilespmem:$0xEC80] =	vst v63  }
.LBB2_18:
0x51: {  	[tilespmem:s1+$0xFFFFFFD0] =	vst v0  }
.LBB2_19:
0x52: {  	s31 =	sadd.s32 $0x1, s31  }
0x53: {  	p0 =	seq.s32 s31, s29  }
.Ltmp5:
0x54: {  	_ = 	snop;
	(pc) =	sbr.rel @p0 .LBB2_20-.Ltmp5, $2  }
0x55: {  	_ =	sdelay $0x2  }
0x56: {  	s30 =	sadd.s32 s30, s0  }
.LBB2_5:
0x57: {  	v1 =	vld [tilespmem:s31+$0x780];
	_ =	sdelay $0x4  }
0x58: {  	(v2sf) =	vpush v1, $0x0;
	_ =	sdelay $0x8  }
0x59: {  	s1 =	sand.u32 $0x1, s31  }
0x5a: {  	p0 =	seq.s32 s1, $0x1  }
.Ltmp6:
0x5b: {  	_ = 	snop;
	(pc) =	sbr.rel @p0 .LBB2_11-.Ltmp6, $2  }
0x5c: {  	_ =	sdelay $0x2  }
0x5d: {  	s0 =	spop (v2sf)  }
0x5e: {  	_ =	swait.ge [sflag:s25], $0x5A00  }
0x5f: {  	s16 =	sor.u32 $0x1, s31;
	[sflag:s25] =	ssyncset.done $0x0  }
0x60: {  	p0 =	sge.s32 s16, s29;
	[sflag:s25] =	ssyncadd.s32 $0xFFFFA600  }
0x61: {  	v1 =	vld @!p0 [tilespmem:s16+$0x600];
	_ =	sdelay $0x4  }
0x62: {  	(v2sf) =	vpush @!p0 v1, $0x0;
	_ =	sdelay $0xe  }
0x63: {  	s16 =	spop @!p0 (v2sf)  }
0x64: {  	s16 =	sshrl.u32 @!p0 s16, $0x3  }
0x65: {  	s16 =	sand.u32 @!p0 $0x1FFFFFF0, s16  }
0x66: {  	s17 =	simm.s32 @!p0 $0x0;
	s18 =	simm.s32 @!p0 $0x9280;
	s16 =	sadd.s32 @!p0 s3, s16  }
0x67: {  	[tilespmem:s18], [sflag:$0x2] =	stream.linear.gather @!p0 [hbm4b:s16+s17], $0x5A00, $0x38;
	[tilespmem:$0xEC80] =	vst v63  }
0x68: {  	p0 =	slt.s32 s0, $0x1  }
.Ltmp7:
0x69: {  	_ = 	snop;
	(pc) =	sbr.rel @p0 .LBB2_10-.Ltmp7, $2  }
0x6a: {  	_ =	sdelay $0x2  }
0x6b: {  	s22 =	simm.s32 $0x0  }
.LBB2_7:
0x6c: {  	s16 =	sadd.s32 s30, s22  }
0x6d: {  	v1 =	vld [tilespmem:s16+$0x0];
	_ =	sdelay $0x4  }
0x6e: {  	(v2sf) =	vpush v1, $0x0;
	_ =	sdelay $0xe  }
0x6f: {  	s17 =	spop (v2sf)  }
0x70: {  	s18 =	sand.u32 $0x40, s17  }
0x71: {  	s18 =	sor.u32 $0x3880, s18  }
0x72: {  	v2 =	vmov s18  }
0x73: {  	s20 =	sadd.s32 $0x0, s17;
	s19 =	sshll.u32 s17, $0x2  }
0x74: {  	s18 =	sand.u32 $0xFFFFFF80, s20;
	s20 =	sshra.s32 s19, $0x2  }
0x75: {  	v1 =	vld.msk [tilespmem:s16+$0x300 ss:$0x0], $0xffff;
	s16 =	sadd.s32 $0x38C0, s20  }
0x76: {  	v3 =	vmov s16  }
0x77: {  	v4 =	vld.idx.msk [tilespmem:v2+s18+$0x0 ss:$0x1], $0xffff;
	_ =	sdelay $0x2  }
0x78: {  	s16 =	simm.s32 $0x0  }
0x79: {  	v7 =	vld.idx.msk [tilespmem:v3+s16+$0xFFFFFFD0 ss:$0x1], $0xffff  }
0x7a: {  	v6 =	vld.idx.msk [tilespmem:v3+s16+$0xFFFFFFE0 ss:$0x1], $0xffff;
	v4 =	vmul.f32 v4, v1  }
0x7b: {  	v5 =	vld.idx.msk [tilespmem:v3+s16+$0xFFFFFFF0 ss:$0x1], $0xffff  }
0x7c: {  	[tilespmem:s16+$0xB80] =	vst.add.f32.msk $0xffff, v4  }
0x7d: {  	s19 =	simm.s32 $0x0;
	s18 =	simm.s32 $0x0;
	v4 =	vld.idx.msk [tilespmem:v3+s16+$0x0 ss:$0x1], $0xffff  }
.LBB2_8:
0x7e: {  	s18 =	sadd.s32 $0x80, s18;
	v8 =	vld.idx.msk [tilespmem:v3+s16+$0x10 ss:$0x1], $0xffff  }
0x7f: {  	s20 =	sadd.s32 s17, s18;
	p0 =	slt.u32 s18, $0x2C80;
	v9 =	vld.idx.msk [tilespmem:v3+s16+$0x20 ss:$0x1], $0xffff  }
0x80: {  	v7 =	vmul.f32 v7, v1;
	s20 =	sand.u32 $0xFFFFFF80, s20;
	v10 =	vld.idx.msk [tilespmem:v3+s16+$0x30 ss:$0x1], $0xffff  }
0x81: {  	v6 =	vmul.f32 v6, v1;
	v11 =	vld.idx.msk [tilespmem:v2+s20+$0x0 ss:$0x1], $0xffff  }
0x82: {  	v5 =	vmul.f32 v5, v1;
	[tilespmem:s16+$0xB90] =	vst.add.f32.msk $0xffff, v7  }
0x83: {  	v4 =	vmul.f32 v4, v1;
	[tilespmem:s16+$0xBA0] =	vst.add.f32.msk $0xffff, v6  }
0x84: {  	[tilespmem:s16+$0xBB0] =	vst.add.f32.msk $0xffff, v5;
	v5 =	vmul.f32 v8, v1  }
0x85: {  	[tilespmem:s16+$0xBC0] =	vst.add.f32.msk $0xffff, v4;
	v4 =	vmul.f32 v9, v1  }
0x86: {  	[tilespmem:s16+$0xBD0] =	vst.add.f32.msk $0xffff, v5;
	v5 =	vmul.f32 v10, v1  }
0x87: {  	s19 =	sadd.s32 $0x200, s19;
	v6 =	vmul.f32 v11, v1;
	[tilespmem:s16+$0xBE0] =	vst.add.f32.msk $0xffff, v4  }
0x88: {  	[tilespmem:s16+$0xBF0] =	vst.add.f32.msk $0xffff, v5;
	s16 =	sshra.s32 s19, $0x2  }
.Ltmp8:
0x89: {  	[tilespmem:s16+$0xB80] =	vst.add.f32.msk $0xffff, v6;
	(pc) =	sbr.rel @p0 .LBB2_8-.Ltmp8, $4  }
0x8a: {  	v7 =	vld.idx.msk [tilespmem:v3+s16+$0xFFFFFFD0 ss:$0x1], $0xffff  }
0x8b: {  	v6 =	vld.idx.msk [tilespmem:v3+s16+$0xFFFFFFE0 ss:$0x1], $0xffff  }
0x8c: {  	v5 =	vld.idx.msk [tilespmem:v3+s16+$0xFFFFFFF0 ss:$0x1], $0xffff  }
0x8d: {  	v4 =	vld.idx.msk [tilespmem:v3+s16+$0x0 ss:$0x1], $0xffff  }
0x8e: {  	_ =	sdelay $0x3  }
0x8f: {  	v2 =	vld.idx.msk [tilespmem:v3+s16+$0x10 ss:$0x1], $0xffff  }
0x90: {  	v8 =	vld.idx.msk [tilespmem:v3+s16+$0x20 ss:$0x1], $0xffff;
	v7 =	vmul.f32 v7, v1  }
0x91: {  	v3 =	vld.idx.msk [tilespmem:v3+s16+$0x30 ss:$0x1], $0xffff;
	v6 =	vmul.f32 v6, v1  }
0x92: {  	s22 =	sadd.s32 $0x1, s22;
	[tilespmem:s16+$0xB90] =	vst.add.f32.msk $0xffff, v7;
	v5 =	vmul.f32 v5, v1  }
0x93: {  	p0 =	sne.s32 s22, s0;
	[tilespmem:s16+$0xBA0] =	vst.add.f32.msk $0xffff, v6;
	v4 =	vmul.f32 v4, v1  }
.Ltmp9:
0x94: {  	[tilespmem:s16+$0xBB0] =	vst.add.f32.msk $0xffff, v5;
	v2 =	vmul.f32 v2, v1;
	(pc) =	sbr.rel @p0 .LBB2_7-.Ltmp9, $4  }
0x95: {  	v63 =	vmul.f32 v8, v1;
	[tilespmem:s16+$0xBC0] =	vst.add.f32.msk $0xffff, v4  }
0x96: {  	v1 =	vmul.f32 v3, v1;
	[tilespmem:s16+$0xBD0] =	vst.add.f32.msk $0xffff, v2  }
0x97: {  	[tilespmem:s16+$0xBE0] =	vst.add.f32.msk $0xffff, v63  }
0x98: {  	[tilespmem:s16+$0xBF0] =	vst.add.f32.msk $0xffff, v1  }
.LBB2_10:
0x99: {  	p0 =	seq.s32 s1, $0x0  }
.Ltmp10:
0x9a: {  	_ = 	snop;
	(pc) =	sbr.rel @p0 .LBB2_15-.Ltmp10, $1  }
0x9b: {  	_ =	sdelay $0x3  }
.LBB2_11:
0x9c: {  	_ =	swait.ge [sflag:s23], $0x5A00  }
0x9d: {  	s1 =	sadd.s32 $0x1, s31;
	[sflag:s23] =	ssyncset.done $0x0  }
0x9e: {  	p0 =	sge.s32 s1, s29;
	[sflag:s23] =	ssyncadd.s32 $0xFFFFA600  }
0x9f: {  	v1 =	vld @!p0 [tilespmem:s1+$0x600];
	_ =	sdelay $0x4  }
0xa0: {  	(v2sf) =	vpush @!p0 v1, $0x0;
	_ =	sdelay $0xe  }
0xa1: {  	s1 =	spop @!p0 (v2sf)  }
0xa2: {  	s1 =	sshrl.u32 @!p0 s1, $0x3  }
0xa3: {  	s1 =	sand.u32 @!p0 $0x1FFFFFF0, s1  }
0xa4: {  	s16 =	simm.s32 @!p0 $0x0;
	s17 =	simm.s32 @!p0 $0x3880;
	s1 =	sadd.s32 @!p0 s3, s1  }
0xa5: {  	[tilespmem:s17], [sflag:$0x1] =	stream.linear.gather @!p0 [hbm4b:s1+s16], $0x5A00, $0x38;
	[tilespmem:$0xEC80] =	vst v63  }
0xa6: {  	p0 =	slt.s32 s0, $0x1  }
.Ltmp11:
0xa7: {  	_ = 	snop;
	(pc) =	sbr.rel @p0 .LBB2_15-.Ltmp11, $2  }
0xa8: {  	_ =	sdelay $0x2  }
0xa9: {  	s1 =	simm.s32 $0x0  }
.LBB2_12:
0xaa: {  	s16 =	sadd.s32 s30, s1  }
0xab: {  	v1 =	vld [tilespmem:s16+$0x0];
	_ =	sdelay $0x4  }
0xac: {  	(v2sf) =	vpush v1, $0x0;
	_ =	sdelay $0xe  }
0xad: {  	s18 =	spop (v2sf)  }
0xae: {  	s17 =	sand.u32 $0x40, s18  }
0xaf: {  	s17 =	sor.u32 $0x3880, s17  }
0xb0: {  	v2 =	vmov s17  }
0xb1: {  	s17 =	sadd.s32 $0x5A00, s18;
	s18 =	sshll.u32 s18, $0x2  }
0xb2: {  	s22 =	sshra.s32 s18, $0x2  }
0xb3: {  	v1 =	vld.msk [tilespmem:s16+$0x300 ss:$0x0], $0xffff;
	s19 =	sadd.s32 $0x0, s17;
	s16 =	sadd.s32 $0x3880, s22  }
0xb4: {  	s20 =	sand.u32 $0xFFFFFF80, s19;
	v3 =	vmov s16  }
0xb5: {  	v4 =	vld.idx.msk [tilespmem:v2+s20+$0x0 ss:$0x1], $0xffff;
	_ =	sdelay $0x2  }
0xb6: {  	s16 =	simm.s32 $0x0  }
0xb7: {  	v7 =	vld.idx.msk [tilespmem:v3+s16+$0x5A10 ss:$0x1], $0xffff  }
0xb8: {  	v6 =	vld.idx.msk [tilespmem:v3+s16+$0x5A20 ss:$0x1], $0xffff;
	v4 =	vmul.f32 v4, v1  }
0xb9: {  	v5 =	vld.idx.msk [tilespmem:v3+s16+$0x5A30 ss:$0x1], $0xffff  }
0xba: {  	[tilespmem:s16+$0xB80] =	vst.add.f32.msk $0xffff, v4  }
0xbb: {  	s18 =	simm.s32 $0x0;
	s19 =	simm.s32 $0x0;
	v4 =	vld.idx.msk [tilespmem:v3+s16+$0x5A40 ss:$0x1], $0xffff  }
.LBB2_13:
0xbc: {  	s18 =	sadd.s32 $0x80, s18;
	v8 =	vld.idx.msk [tilespmem:v3+s16+$0x5A50 ss:$0x1], $0xffff  }
0xbd: {  	s20 =	sadd.s32 s17, s18;
	p0 =	slt.u32 s18, $0x2C80;
	v9 =	vld.idx.msk [tilespmem:v3+s16+$0x5A60 ss:$0x1], $0xffff  }
0xbe: {  	v7 =	vmul.f32 v7, v1;
	s20 =	sand.u32 $0xFFFFFF80, s20;
	v10 =	vld.idx.msk [tilespmem:v3+s16+$0x5A70 ss:$0x1], $0xffff  }
0xbf: {  	v6 =	vmul.f32 v6, v1;
	v11 =	vld.idx.msk [tilespmem:v2+s20+$0x0 ss:$0x1], $0xffff  }
0xc0: {  	v5 =	vmul.f32 v5, v1;
	[tilespmem:s16+$0xB90] =	vst.add.f32.msk $0xffff, v7  }
0xc1: {  	v4 =	vmul.f32 v4, v1;
	[tilespmem:s16+$0xBA0] =	vst.add.f32.msk $0xffff, v6  }
0xc2: {  	[tilespmem:s16+$0xBB0] =	vst.add.f32.msk $0xffff, v5;
	v5 =	vmul.f32 v8, v1  }
0xc3: {  	[tilespmem:s16+$0xBC0] =	vst.add.f32.msk $0xffff, v4;
	v4 =	vmul.f32 v9, v1  }
0xc4: {  	[tilespmem:s16+$0xBD0] =	vst.add.f32.msk $0xffff, v5;
	v5 =	vmul.f32 v10, v1  }
0xc5: {  	s19 =	sadd.s32 $0x200, s19;
	v6 =	vmul.f32 v11, v1;
	[tilespmem:s16+$0xBE0] =	vst.add.f32.msk $0xffff, v4  }
0xc6: {  	[tilespmem:s16+$0xBF0] =	vst.add.f32.msk $0xffff, v5;
	s16 =	sshra.s32 s19, $0x2  }
.Ltmp12:
0xc7: {  	[tilespmem:s16+$0xB80] =	vst.add.f32.msk $0xffff, v6;
	(pc) =	sbr.rel @p0 .LBB2_13-.Ltmp12, $4  }
0xc8: {  	v7 =	vld.idx.msk [tilespmem:v3+s16+$0x5A10 ss:$0x1], $0xffff  }
0xc9: {  	v6 =	vld.idx.msk [tilespmem:v3+s16+$0x5A20 ss:$0x1], $0xffff  }
0xca: {  	v5 =	vld.idx.msk [tilespmem:v3+s16+$0x5A30 ss:$0x1], $0xffff  }
0xcb: {  	v4 =	vld.idx.msk [tilespmem:v3+s16+$0x5A40 ss:$0x1], $0xffff  }
0xcc: {  	_ =	sdelay $0x3  }
0xcd: {  	v2 =	vld.idx.msk [tilespmem:v3+s16+$0x5A50 ss:$0x1], $0xffff  }
0xce: {  	v8 =	vld.idx.msk [tilespmem:v3+s16+$0x5A60 ss:$0x1], $0xffff;
	v7 =	vmul.f32 v7, v1  }
0xcf: {  	v3 =	vld.idx.msk [tilespmem:v3+s16+$0x5A70 ss:$0x1], $0xffff;
	v6 =	vmul.f32 v6, v1  }
0xd0: {  	s1 =	sadd.s32 $0x1, s1;
	[tilespmem:s16+$0xB90] =	vst.add.f32.msk $0xffff, v7;
	v5 =	vmul.f32 v5, v1  }
0xd1: {  	p0 =	sne.s32 s1, s0;
	[tilespmem:s16+$0xBA0] =	vst.add.f32.msk $0xffff, v6;
	v4 =	vmul.f32 v4, v1  }
.Ltmp13:
0xd2: {  	[tilespmem:s16+$0xBB0] =	vst.add.f32.msk $0xffff, v5;
	v2 =	vmul.f32 v2, v1;
	(pc) =	sbr.rel @p0 .LBB2_12-.Ltmp13, $4  }
0xd3: {  	v63 =	vmul.f32 v8, v1;
	[tilespmem:s16+$0xBC0] =	vst.add.f32.msk $0xffff, v4  }
0xd4: {  	v1 =	vmul.f32 v3, v1;
	[tilespmem:s16+$0xBD0] =	vst.add.f32.msk $0xffff, v2  }
0xd5: {  	[tilespmem:s16+$0xBE0] =	vst.add.f32.msk $0xffff, v63  }
0xd6: {  	[tilespmem:s16+$0xBF0] =	vst.add.f32.msk $0xffff, v1  }
.LBB2_15:
0xd7: {  	v1 =	vld [tilespmem:s31+$0x900];
	_ =	sdelay $0x4  }
0xd8: {  	(v2sf) =	vpush v1, $0x0;
	_ =	sdelay $0xe  }
0xd9: {  	s1 =	spop (v2sf)  }
0xda: {  	p0 =	slt.s32 s1, $0x0  }
.Ltmp14:
0xdb: {  	_ = 	snop;
	(pc) =	sbr.rel @p0 .LBB2_19-.Ltmp14, $1  }
0xdc: {  	_ =	sdelay $0x3  }
0xdd: {  	s1 =	sshrl.u32 s1, $0x3  }
0xde: {  	s1 =	sand.u32 $0xFFFFFF0, s1  }
0xdf: {  	s1 =	sadd.s32 s4, s1  }
0xe0: {  	[hbm4b:s1+s2] =	stream.linear.scatter [tilespmem:s24], [sflag:$0x3], $0x2D00, $0x38;
	[tilespmem:$0xEC80] =	vst v63  }
0xe1: {  	_ =	swait.ge [sflag:s15], $0x2D00  }
0xe2: {  	[sflag:s15] =	ssyncset.done $0x0  }
0xe3: {  	s1 =	simm.s32 $0xBC0;
	[sflag:s15] =	ssyncadd.s32 $0xFFFFD300  }
0xe4: {  	[tilespmem:s1+$0xFFFFFFC0] =	vst v0  }
0xe5: {  	[tilespmem:s1+$0x30] =	vst v0  }
0xe6: {  	[tilespmem:s1+$0x20] =	vst v0  }
0xe7: {  	[tilespmem:s1+$0x10] =	vst v0  }
0xe8: {  	[tilespmem:s1+$0x0] =	vst v0  }
0xe9: {  	[tilespmem:s1+$0xFFFFFFF0] =	vst v0  }
0xea: {  	s16 =	simm.s32 $0x0;
	[tilespmem:s1+$0xFFFFFFE0] =	vst v0  }
.LBB2_17:
0xeb: {  	s16 =	sadd.s32 $0x80, s16;
	[tilespmem:s1+$0xFFFFFFD0] =	vst v0;
	s1 =	sadd.s32 $0x80, s1  }
0xec: {  	[tilespmem:s1+$0xFFFFFFC0] =	vst v0;
	p0 =	slt.u32 s16, $0x2C80  }
0xed: {  	[tilespmem:s1+$0x30] =	vst v0  }
.Ltmp15:
0xee: {  	[tilespmem:s1+$0x20] =	vst v0;
	(pc) =	sbr.rel @p0 .LBB2_17-.Ltmp15, $4  }
0xef: {  	[tilespmem:s1+$0x10] =	vst v0  }
0xf0: {  	[tilespmem:s1+$0x0] =	vst v0  }
0xf1: {  	[tilespmem:s1+$0xFFFFFFF0] =	vst v0  }
0xf2: {  	[tilespmem:s1+$0xFFFFFFE0] =	vst v0  }
.Ltmp16:
0xf3: {  	_ = 	snop;
	(pc) =	sbr.rel .LBB2_18-.Ltmp16, $1  }
0xf4: {  	_ =	sdelay $0x3  }
.LBB2_20:
0xf5: {  	p0 =	sgt.s32 s28, $0x0  }
.Ltmp17:
0xf6: {  	_ = 	snop;
	(pc) =	sbr.rel @!p0 .LBB2_24-.Ltmp17, $2  }
0xf7: {  	_ =	sdelay $0x2  }
0xf8: {  	s0 =	simm.s32 $0xB00  }
0xf9: {  	v1 =	vld [tilespmem:s0+$0x0];
	_ =	sdelay $0x4  }
0xfa: {  	(v2sf) =	vpush v1, $0x0;
	_ =	sdelay $0xe  }
0xfb: {  	s1 =	spop (v2sf)  }
0xfc: {  	p0 =	sne.s32 s28, $0x1;
	s1 =	sshrl.u32 s1, $0x3  }
.Ltmp18:
0xfd: {  	s1 =	sand.u32 $0x1FFFFFF0, s1;
	(pc) =	sbr.rel @!p0 .LBB2_23-.Ltmp18, $4  }
0xfe: {  	s1 =	sadd.s32 s4, s1  }
0xff: {  	[hbm4b:s1+s2] =	stream.linear.scatter [tilespmem:s24], [sflag:$0x3], $0x2D00, $0x38;
	[tilespmem:$0xEC80] =	vst v63  }
0x100: {  	_ =	swait.ge [sflag:s15], $0x2D00  }
0x101: {  	s1 =	sadd.s32 $0xFFFFFFFF, s28;
	[sflag:s15] =	ssyncset.done $0x0  }
.LBB2_22:
0x102: {  	p0 =	sne.s32 s1, $0x1;
	[sflag:s15] =	ssyncadd.s32 $0xFFFFD300;
	s0 =	sadd.s32 $0x1, s0  }
0x103: {  	s1 =	sadd.s32 $0xFFFFFFFF, s1;
	v1 =	vld [tilespmem:s0+$0x0];
	_ =	sdelay $0x4  }
0x104: {  	(v2sf) =	vpush v1, $0x0;
	_ =	sdelay $0xe  }
0x105: {  	s16 =	spop (v2sf)  }
0x106: {  	s16 =	sshrl.u32 s16, $0x3  }
.Ltmp19:
0x107: {  	s16 =	sand.u32 $0x1FFFFFF0, s16;
	(pc) =	sbr.rel @p0 .LBB2_22-.Ltmp19, $4  }
0x108: {  	s16 =	sadd.s32 s4, s16  }
0x109: {  	[hbm4b:s16+s2] =	stream.linear.scatter [tilespmem:s24], [sflag:$0x3], $0x2D00, $0x38;
	[tilespmem:$0xEC80] =	vst v63  }
0x10a: {  	_ =	swait.ge [sflag:s15], $0x2D00  }
0x10b: {  	[sflag:s15] =	ssyncset.done $0x0  }
.Ltmp20:
0x10c: {  	_ = 	snop;
	(pc) =	sbr.rel .LBB2_23-.Ltmp20, $1  }
0x10d: {  	_ =	sdelay $0x3  }
.LBB2_25:
0x10e: {  	_ =	sfence.sel $0x180000  }
0x10f: {  	[bflag:$0x0] =	sbarrier.arrive $0xFFFF  }
0x110: {  	_ =	strace $0x9000004A  }
0x111: {  	s0 =	stileid.u32;
	[bflag:$0x2] =	sbarrier.arrive $0xFFFF  }
0x112: {  	p0 =	sne.s32 s0, $0x0;
	s0 =	rddreg [dreg:$0x2]  }
0x113: {  	s0 =	sadd.s32 @!p0 $0x100000, s0  }
0x114: {  	[sflag:s0] =	ssyncadd.tile.s32 @!p0 $0x1;
	_ =	shalt  }
.Lfunc_end2:
_tile_overlayer_lowered:
.L_overlay_start_2:
0x115: {  	(tag) =	ssettag $0x2  }
0x116: {  	s0 =	rddreg [dreg:$0x0];
	s2 =	stileid.u32  }
0x117: {  	s1 =	rddreg [dreg:$0x1];
	p0 =	sne.s32 s2, $0x0  }
0x118: {  	s3 =	rddreg [dreg:$0x2];
	[bflag:$0x3] =	sbarrier.arrive $0xFFFF;
	s2 =	simm.s32 @!p0 $0x1C03  }
0x119: {  	[timem:s3], [sflag:s2] =	dma.local @!p0 [hbm:s0], s1  }
0x11a: {  	s0 =	simm.s32 @!p0 $0x3  }
0x11b: {  	_ =	swait.ge @!p0 [sflag:s0], s1  }
0x11c: {  	s1 =	ssub.s32 @!p0 $0x0, s1;
	[sflag:s0] =	ssyncset.done @!p0 $0x0  }
0x11d: {  	[sflag:s0] =	ssyncadd.s32 @!p0 s1  }
0x11e: {  	[bflag:$0x3] =	sbarrier.arrive $0xFFFF  }
0x11f: {  	_ =	shalt  }

</sc_bundles>
